<compile_context>
chip_gen: v7x
topology: tpu7x:2x2x1
jax: 0.10.2.dev20260603
libtpu: 0.0.44.dev20260713+nightly
codegen_flags: <defaults>
</compile_context>

<pallas_src>
import functools

import jax
import jax.numpy as jnp
from jax import lax
from jax.experimental import pallas as pl
from jax.experimental.pallas import tpu as pltpu
from jax.experimental.pallas import tpu_sc as plsc

_VOCAB = 100000
_D = 128
_L = 200
_B = 1024
_N = _B * _L
_NC = 2
_NS = 16
_NW = _NC * _NS
_TPW = _N // _NW
_C = 128
_NCHUNK = _TPW // _C
_EPS = 1e-12


def _allreduce_sum(v, lanes):
    for k in (1, 2, 4, 8):
        v = v + v.at[lanes ^ k].get(mode="promise_in_bounds")
    return v


def _ln_chunk(rows_v, pos_v, gb_v, p0, n_tok):
    lanes = lax.iota(jnp.int32, 16)

    def tok(i, carry):
        p = p0 + i
        p = p - jnp.where(p >= _L, _L, 0)
        sacc = jnp.zeros((16,), jnp.float32)
        ssacc = jnp.zeros((16,), jnp.float32)
        vs = []
        for j in range(8):
            v = rows_v[i, pl.ds(j * 16, 16)] + pos_v[p, pl.ds(j * 16, 16)]
            vs.append(v)
            sacc = sacc + v
            ssacc = ssacc + v * v
        meanv = _allreduce_sum(sacc, lanes) * (1.0 / _D)
        varv = _allreduce_sum(ssacc, lanes) * (1.0 / _D) - meanv * meanv + _EPS
        bits = plsc.bitcast(varv, jnp.int32)
        y = plsc.bitcast(jnp.int32(0x5F3759DF) - (bits >> 1), jnp.float32)
        for _ in range(3):
            y = y * (1.5 - 0.5 * varv * y * y)
        for j in range(8):
            g = gb_v[0, pl.ds(j * 16, 16)]
            b = gb_v[1, pl.ds(j * 16, 16)]
            rows_v[i, pl.ds(j * 16, 16)] = (vs[j] - meanv) * y * g + b
        return carry

    lax.fori_loop(0, n_tok, tok, 0)


def _sc_embed(ids_hbm, word_hbm, pos_hbm, gamma_hbm, beta_hbm, out_hbm,
              idx_v, pos_v, gb_v, rows_v, sem):
    cid = lax.axis_index("c")
    sid = lax.axis_index("s")
    wid = sid * _NC + cid
    base = wid * _TPW
    pltpu.sync_copy(ids_hbm.at[pl.ds(base, _TPW)], idx_v)
    pltpu.sync_copy(pos_hbm.at[pl.ds(0, _L), :], pos_v)
    pltpu.sync_copy(gamma_hbm, gb_v.at[0])
    pltpu.sync_copy(beta_hbm, gb_v.at[1])

    def chunk(c, carry):
        off = c * _C
        pltpu.async_copy(word_hbm.at[idx_v.at[pl.ds(off, _C)]], rows_v, sem).wait()
        p0 = lax.rem(base + off, _L)
        _ln_chunk(rows_v, pos_v, gb_v, p0, _C)
        pltpu.sync_copy(rows_v, out_hbm.at[pl.ds(base + off, _C), :])
        return carry

    lax.fori_loop(0, _NCHUNK, chunk, 0)


@jax.jit
def _run(ids_flat, word_table, pos_table, ln_gamma, ln_beta):
    mesh = plsc.VectorSubcoreMesh(core_axis_name="c", subcore_axis_name="s")
    call = functools.partial(
        pl.kernel,
        mesh=mesh,
        compiler_params=pltpu.CompilerParams(needs_layout_passes=False),
        out_type=jax.ShapeDtypeStruct((_N, _D), jnp.float32),
        scratch_types=[
            pltpu.VMEM((_TPW,), jnp.int32),
            pltpu.VMEM((_L, _D), jnp.float32),
            pltpu.VMEM((2, _D), jnp.float32),
            pltpu.VMEM((_C, _D), jnp.float32),
            pltpu.SemaphoreType.DMA,
        ],
    )(_sc_embed)
    return call(ids_flat, word_table, pos_table, ln_gamma, ln_beta)


def kernel(input_ids, word_table, pos_table, ln_gamma, ln_beta):
    ids_flat = input_ids.reshape(-1).astype(jnp.int32)
    out = _run(ids_flat, word_table, pos_table, ln_gamma, ln_beta)
    return out.reshape(_B, _L, _D)

# --- scband reference (transcript-rebuilt; emitter-appended) ---
"""Pipeline reference for scband-bert-embeddings-8169027797142 (READ-ONLY COPY).

The authoritative reference and input builder live on the scoring server;
editing this copy changes nothing except your own understanding.
"""

import jax, jax.numpy as jnp
import numpy as np

VOCAB = 100000
DIM = 128
MAXPOS = 512
B = 1024
L = 200

def setup_inputs(seed: int = 0) -> dict:
    key = jax.random.key(seed)
    k1, k2, k3 = jax.random.split(key, 3)
    input_ids = jax.random.randint(k1, (B, L), 0, VOCAB, dtype=jnp.int64 if jax.config.jax_enable_x64 else jnp.int32)
    word_table = jax.random.normal(k2, (VOCAB, DIM), dtype=jnp.float32) * 0.02
    pos_table = jax.random.normal(k3, (MAXPOS, DIM), dtype=jnp.float32) * 0.02
    ln_gamma = jnp.ones((DIM,), dtype=jnp.float32)
    ln_beta = jnp.zeros((DIM,), dtype=jnp.float32)
    return {"input_ids": input_ids, "word_table": word_table, "pos_table": pos_table, "ln_gamma": ln_gamma, "ln_beta": ln_beta}

def _layer_norm(x, gamma, beta, eps=1e-12):
    mean = jnp.mean(x, axis=-1, keepdims=True)
    var = jnp.mean((x - mean) ** 2, axis=-1, keepdims=True)
    return (x - mean) / jnp.sqrt(var + eps) * gamma + beta

def reference(input_ids, word_table, pos_table, ln_gamma, ln_beta):
    # word embedding lookup (gather)
    words_embeddings = jnp.take(word_table, input_ids, axis=0)
    # learned positional embeddings: position_ids = arange(seq_len) broadcast over batch
    seq_len = input_ids.shape[1]
    position_ids = jnp.arange(seq_len, dtype=jnp.int32)
    position_embeddings = jnp.take(pos_table, position_ids, axis=0)  # [L, D]
    embeddings = words_embeddings + position_embeddings[None, :, :]
    embeddings = _layer_norm(embeddings, ln_gamma, ln_beta, eps=1e-12)
    # dropout is identity in eval mode
    return embeddings

if __name__ == "__main__":
    import jax
    _d = setup_inputs()
    print(jax.jit(kernel)(*tuple(_d.values())))

</pallas_src>

<mosaic_0001>
#map = affine_map<(d0, d1) -> (0)>
#map1 = affine_map<(d0, d1) -> (0, 0)>
module attributes {stable_mosaic.version = 14 : i64} {
  func.func @_sc_embed(%arg0: i32, %arg1: i32, %arg2: memref<204800xi32, #tpu.memory_space<hbm>>, %arg3: memref<100000x128xf32, #tpu.memory_space<hbm>>, %arg4: memref<512x128xf32, #tpu.memory_space<hbm>>, %arg5: memref<128xf32, #tpu.memory_space<hbm>>, %arg6: memref<128xf32, #tpu.memory_space<hbm>>, %arg7: memref<204800x128xf32, #tpu.memory_space<hbm>>, %arg8: memref<6400xi32, #tpu.memory_space<vmem>>, %arg9: memref<200x128xf32, #tpu.memory_space<vmem>>, %arg10: memref<2x128xf32, #tpu.memory_space<vmem>>, %arg11: memref<128x128xf32, #tpu.memory_space<vmem>>, %arg12: memref<!tpu.dma_semaphore, #tpu.memory_space<semaphore_mem>>) attributes {dimension_semantics = [#tpu.dimension_semantics<core_parallel>, #tpu.dimension_semantics<subcore_parallel>], iteration_bounds = array<i64: 2, 16>, scalar_prefetch = 0 : i64, scratch_operands = 5 : i64, tpu.core_type = #tpu.core_type<sc_vector_subcore>, window_params = [{transform_indices = #map}, {transform_indices = #map1}, {transform_indices = #map1}, {transform_indices = #map}, {transform_indices = #map}, {transform_indices = #map1}]} {
    %mul3A = arith.constant 2 : i32
    %mul3A_0 = arith.muli %arg1, %mul3A : i32
    %add3A = arith.addi %mul3A_0, %arg0 : i32
    %mul3A_1 = arith.constant 6400 : i32
    %mul3A_2 = arith.muli %add3A, %mul3A_1 : i32
    "tpu.region"() ({
      %run_scoped3A_9 = tpu.sem_alloc : memref<!tpu.dma_semaphore, #tpu.memory_space<semaphore_mem>>
      %dma_start3A = tpu.memref_slice %arg2[%mul3A_2] : memref<204800xi32, #tpu.memory_space<hbm>> -> memref<6400xi32, #tpu.memory_space<hbm>>
      %dma_start3A_10 = tpu.memref_slice %arg2[%mul3A_2] : memref<204800xi32, #tpu.memory_space<hbm>> -> memref<6400xi32, #tpu.memory_space<hbm>>
      tpu.enqueue_dma source(%dma_start3A_10 : memref<6400xi32, #tpu.memory_space<hbm>>) target(%arg8 : memref<6400xi32, #tpu.memory_space<vmem>>) target_semaphore(%run_scoped3A_9 : memref<!tpu.dma_semaphore, #tpu.memory_space<semaphore_mem>>)
      %dma_wait3A = tpu.memref_slice %arg2[%mul3A_2] : memref<204800xi32, #tpu.memory_space<hbm>> -> memref<6400xi32, #tpu.memory_space<hbm>>
      %dma_wait3A_11 = tpu.memref_slice %arg2[%mul3A_2] : memref<204800xi32, #tpu.memory_space<hbm>> -> memref<6400xi32, #tpu.memory_space<hbm>>
      tpu.wait_dma2 semaphore(%run_scoped3A_9 : memref<!tpu.dma_semaphore, #tpu.memory_space<semaphore_mem>>) src(%dma_wait3A_11 : memref<6400xi32, #tpu.memory_space<hbm>>) dst(%arg8 : memref<6400xi32, #tpu.memory_space<vmem>>)
      tpu.yield
    }) : () -> ()
    "tpu.region"() ({
      %run_scoped3A_9 = tpu.sem_alloc : memref<!tpu.dma_semaphore, #tpu.memory_space<semaphore_mem>>
      %dma_start3A = arith.constant 0 : i32
      %dma_start3A_10 = arith.constant 0 : i32
      %dma_start3A_11 = tpu.memref_slice %arg4[%dma_start3A, %dma_start3A_10] : memref<512x128xf32, #tpu.memory_space<hbm>> -> memref<200x128xf32, #tpu.memory_space<hbm>>
      %dma_start3A_12 = arith.constant 0 : i32
      %dma_start3A_13 = arith.constant 0 : i32
      %dma_start3A_14 = tpu.memref_slice %arg4[%dma_start3A_12, %dma_start3A_13] : memref<512x128xf32, #tpu.memory_space<hbm>> -> memref<200x128xf32, #tpu.memory_space<hbm>>
      tpu.enqueue_dma source(%dma_start3A_14 : memref<200x128xf32, #tpu.memory_space<hbm>>) target(%arg9 : memref<200x128xf32, #tpu.memory_space<vmem>>) target_semaphore(%run_scoped3A_9 : memref<!tpu.dma_semaphore, #tpu.memory_space<semaphore_mem>>)
      %dma_wait3A = arith.constant 0 : i32
      %dma_wait3A_15 = arith.constant 0 : i32
      %dma_wait3A_16 = tpu.memref_slice %arg4[%dma_wait3A, %dma_wait3A_15] : memref<512x128xf32, #tpu.memory_space<hbm>> -> memref<200x128xf32, #tpu.memory_space<hbm>>
      %dma_wait3A_17 = arith.constant 0 : i32
      %dma_wait3A_18 = arith.constant 0 : i32
      %dma_wait3A_19 = tpu.memref_slice %arg4[%dma_wait3A_17, %dma_wait3A_18] : memref<512x128xf32, #tpu.memory_space<hbm>> -> memref<200x128xf32, #tpu.memory_space<hbm>>
      tpu.wait_dma2 semaphore(%run_scoped3A_9 : memref<!tpu.dma_semaphore, #tpu.memory_space<semaphore_mem>>) src(%dma_wait3A_19 : memref<200x128xf32, #tpu.memory_space<hbm>>) dst(%arg9 : memref<200x128xf32, #tpu.memory_space<vmem>>)
      tpu.yield
    }) : () -> ()
    %run_scoped3A = arith.constant 0 : i32
    "tpu.region"() ({
      %run_scoped3A_9 = tpu.sem_alloc : memref<!tpu.dma_semaphore, #tpu.memory_space<semaphore_mem>>
      %dma_start3A = arith.constant 0 : i32
      %dma_start3A_10 = tpu.memref_slice %arg10[%run_scoped3A, %dma_start3A] : memref<2x128xf32, #tpu.memory_space<vmem>> -> memref<1x128xf32, #tpu.memory_space<vmem>>
      %dma_start3A_11 = tpu.memref_squeeze %dma_start3A_10 : memref<1x128xf32, #tpu.memory_space<vmem>> -> memref<128xf32, #tpu.memory_space<vmem>>
      %dma_start3A_12 = arith.constant 0 : i32
      %dma_start3A_13 = tpu.memref_slice %arg10[%run_scoped3A, %dma_start3A_12] : memref<2x128xf32, #tpu.memory_space<vmem>> -> memref<1x128xf32, #tpu.memory_space<vmem>>
      %dma_start3A_14 = tpu.memref_squeeze %dma_start3A_13 : memref<1x128xf32, #tpu.memory_space<vmem>> -> memref<128xf32, #tpu.memory_space<vmem>>
      tpu.enqueue_dma source(%arg5 : memref<128xf32, #tpu.memory_space<hbm>>) target(%dma_start3A_14 : memref<128xf32, #tpu.memory_space<vmem>>) target_semaphore(%run_scoped3A_9 : memref<!tpu.dma_semaphore, #tpu.memory_space<semaphore_mem>>)
      %dma_wait3A = arith.constant 0 : i32
      %dma_wait3A_15 = tpu.memref_slice %arg10[%run_scoped3A, %dma_wait3A] : memref<2x128xf32, #tpu.memory_space<vmem>> -> memref<1x128xf32, #tpu.memory_space<vmem>>
      %dma_wait3A_16 = tpu.memref_squeeze %dma_wait3A_15 : memref<1x128xf32, #tpu.memory_space<vmem>> -> memref<128xf32, #tpu.memory_space<vmem>>
      %dma_wait3A_17 = arith.constant 0 : i32
      %dma_wait3A_18 = tpu.memref_slice %arg10[%run_scoped3A, %dma_wait3A_17] : memref<2x128xf32, #tpu.memory_space<vmem>> -> memref<1x128xf32, #tpu.memory_space<vmem>>
      %dma_wait3A_19 = tpu.memref_squeeze %dma_wait3A_18 : memref<1x128xf32, #tpu.memory_space<vmem>> -> memref<128xf32, #tpu.memory_space<vmem>>
      tpu.wait_dma2 semaphore(%run_scoped3A_9 : memref<!tpu.dma_semaphore, #tpu.memory_space<semaphore_mem>>) src(%arg5 : memref<128xf32, #tpu.memory_space<hbm>>) dst(%dma_wait3A_19 : memref<128xf32, #tpu.memory_space<vmem>>)
      tpu.yield
    }) : () -> ()
    %run_scoped3A_3 = arith.constant 1 : i32
    "tpu.region"() ({
      %run_scoped3A_9 = tpu.sem_alloc : memref<!tpu.dma_semaphore, #tpu.memory_space<semaphore_mem>>
      %dma_start3A = arith.constant 0 : i32
      %dma_start3A_10 = tpu.memref_slice %arg10[%run_scoped3A_3, %dma_start3A] : memref<2x128xf32, #tpu.memory_space<vmem>> -> memref<1x128xf32, #tpu.memory_space<vmem>>
      %dma_start3A_11 = tpu.memref_squeeze %dma_start3A_10 : memref<1x128xf32, #tpu.memory_space<vmem>> -> memref<128xf32, #tpu.memory_space<vmem>>
      %dma_start3A_12 = arith.constant 0 : i32
      %dma_start3A_13 = tpu.memref_slice %arg10[%run_scoped3A_3, %dma_start3A_12] : memref<2x128xf32, #tpu.memory_space<vmem>> -> memref<1x128xf32, #tpu.memory_space<vmem>>
      %dma_start3A_14 = tpu.memref_squeeze %dma_start3A_13 : memref<1x128xf32, #tpu.memory_space<vmem>> -> memref<128xf32, #tpu.memory_space<vmem>>
      tpu.enqueue_dma source(%arg6 : memref<128xf32, #tpu.memory_space<hbm>>) target(%dma_start3A_14 : memref<128xf32, #tpu.memory_space<vmem>>) target_semaphore(%run_scoped3A_9 : memref<!tpu.dma_semaphore, #tpu.memory_space<semaphore_mem>>)
      %dma_wait3A = arith.constant 0 : i32
      %dma_wait3A_15 = tpu.memref_slice %arg10[%run_scoped3A_3, %dma_wait3A] : memref<2x128xf32, #tpu.memory_space<vmem>> -> memref<1x128xf32, #tpu.memory_space<vmem>>
      %dma_wait3A_16 = tpu.memref_squeeze %dma_wait3A_15 : memref<1x128xf32, #tpu.memory_space<vmem>> -> memref<128xf32, #tpu.memory_space<vmem>>
      %dma_wait3A_17 = arith.constant 0 : i32
      %dma_wait3A_18 = tpu.memref_slice %arg10[%run_scoped3A_3, %dma_wait3A_17] : memref<2x128xf32, #tpu.memory_space<vmem>> -> memref<1x128xf32, #tpu.memory_space<vmem>>
      %dma_wait3A_19 = tpu.memref_squeeze %dma_wait3A_18 : memref<1x128xf32, #tpu.memory_space<vmem>> -> memref<128xf32, #tpu.memory_space<vmem>>
      tpu.wait_dma2 semaphore(%run_scoped3A_9 : memref<!tpu.dma_semaphore, #tpu.memory_space<semaphore_mem>>) src(%arg6 : memref<128xf32, #tpu.memory_space<hbm>>) dst(%dma_wait3A_19 : memref<128xf32, #tpu.memory_space<vmem>>)
      tpu.yield
    }) : () -> ()
    %scan3A = arith.constant 0 : i32
    %scan3A_4 = arith.constant 0 : i32
    %scan3A_5 = arith.constant 50 : i32
    %scan3A_6 = arith.addi %scan3A_4, %scan3A_5 : i32
    %scan3A_7 = arith.constant 1 : i32
    scf.for %scan3A_9 = %scan3A_4 to %scan3A_6 step %scan3A_7  : i32 {
      %mul3A_10 = arith.constant 128 : i32
      %mul3A_11 = arith.muli %scan3A_9, %mul3A_10 : i32
      %dma_start3A = tpu.memref_slice %arg8[%mul3A_11] : memref<6400xi32, #tpu.memory_space<vmem>> -> memref<128xi32, #tpu.memory_space<vmem>>
      %dma_start3A_12 = arith.constant 0 : i32
      %dma_start3A_13 = arith.constant 0 : i32
      %dma_start3A_14 = tpu.memref_slice %arg3[%dma_start3A_12, %dma_start3A_13] : memref<100000x128xf32, #tpu.memory_space<hbm>> -> memref<100000x128xf32, #tpu.memory_space<hbm>>
      tpu.enqueue_indirect_dma source(%dma_start3A_14 : memref<100000x128xf32, #tpu.memory_space<hbm>>) target(%arg11 : memref<128x128xf32, #tpu.memory_space<vmem>>) offsets(%dma_start3A : memref<128xi32, #tpu.memory_space<vmem>>) semaphore(%arg12 : memref<!tpu.dma_semaphore, #tpu.memory_space<semaphore_mem>>)
      %dma_wait3A = tpu.memref_slice %arg8[%mul3A_11] : memref<6400xi32, #tpu.memory_space<vmem>> -> memref<128xi32, #tpu.memory_space<vmem>>
      %dma_wait3A_15 = arith.constant 0 : i32
      %dma_wait3A_16 = arith.constant 0 : i32
      %dma_wait3A_17 = tpu.memref_slice %arg3[%dma_wait3A_15, %dma_wait3A_16] : memref<100000x128xf32, #tpu.memory_space<hbm>> -> memref<100000x128xf32, #tpu.memory_space<hbm>>
      tpu.wait_indirect_dma semaphore(%arg12 : memref<!tpu.dma_semaphore, #tpu.memory_space<semaphore_mem>>) src(%dma_wait3A_17 : memref<100000x128xf32, #tpu.memory_space<hbm>>) dst(%arg11 : memref<128x128xf32, #tpu.memory_space<vmem>>)
      %add3A_18 = arith.addi %mul3A_2, %mul3A_11 : i32
      %rem3A = arith.constant 200 : i32
      %rem3A_19 = arith.remsi %add3A_18, %rem3A : i32
      %iota3A = tpu.iota {dimensions = array<i32: 0>} : vector<16xi32>
      %scan3A_20 = arith.constant 0 : i32
      %scan3A_21 = arith.constant 0 : i32
      %scan3A_22 = arith.constant 128 : i32
      %scan3A_23 = arith.addi %scan3A_21, %scan3A_22 : i32
      %scan3A_24 = arith.constant 1 : i32
      scf.for %scan3A_27 = %scan3A_21 to %scan3A_23 step %scan3A_24  : i32 {
        %add3A_28 = arith.addi %rem3A_19, %scan3A_27 : i32
        %ge3A = arith.constant 200 : i32
        %ge3A_29 = arith.cmpi sge, %add3A_28, %ge3A : i32
        %jit3A = arith.constant 200 : i32
        %jit3A_30 = arith.constant 0 : i32
        %select_n3A = arith.select %ge3A_29, %jit3A, %jit3A_30 : i32
        %sub3A = arith.subi %add3A_28, %select_n3A : i32
        %broadcast_in_dim3A = arith.constant 0.000000e+00 : f32
        %broadcast_in_dim3A_31 = vector.broadcast %broadcast_in_dim3A : f32 to vector<16xf32>
        %broadcast_in_dim3A_32 = arith.constant 0.000000e+00 : f32
        %broadcast_in_dim3A_33 = vector.broadcast %broadcast_in_dim3A_32 : f32 to vector<16xf32>
        %get3A = arith.index_cast %scan3A_27 : i32 to index
        %get3A_34 = arith.constant 0 : index
        %get3A_35 = tpu.vector_load %arg11[%get3A, %get3A_34] {strides = array<i32>} : memref<128x128xf32, #tpu.memory_space<vmem>>, vector<16xf32>,
        %get3A_36 = arith.index_cast %sub3A : i32 to index
        %get3A_37 = arith.constant 0 : index
        %get3A_38 = tpu.vector_load %arg9[%get3A_36, %get3A_37] {strides = array<i32>} : memref<200x128xf32, #tpu.memory_space<vmem>>, vector<16xf32>,
        %add3A_39 = arith.addf %get3A_35, %get3A_38 : vector<16xf32>
        %add3A_40 = arith.addf %broadcast_in_dim3A_31, %add3A_39 : vector<16xf32>
        %mul3A_41 = arith.mulf %add3A_39, %add3A_39 : vector<16xf32>
        %add3A_42 = arith.addf %broadcast_in_dim3A_33, %mul3A_41 : vector<16xf32>
        %get3A_43 = arith.index_cast %scan3A_27 : i32 to index
        %get3A_44 = arith.constant 16 : index
        %get3A_45 = tpu.vector_load %arg11[%get3A_43, %get3A_44] {strides = array<i32>} : memref<128x128xf32, #tpu.memory_space<vmem>>, vector<16xf32>,
        %get3A_46 = arith.index_cast %sub3A : i32 to index
        %get3A_47 = arith.constant 16 : index
        %get3A_48 = tpu.vector_load %arg9[%get3A_46, %get3A_47] {strides = array<i32>} : memref<200x128xf32, #tpu.memory_space<vmem>>, vector<16xf32>,
        %add3A_49 = arith.addf %get3A_45, %get3A_48 : vector<16xf32>
        %add3A_50 = arith.addf %add3A_40, %add3A_49 : vector<16xf32>
        %mul3A_51 = arith.mulf %add3A_49, %add3A_49 : vector<16xf32>
        %add3A_52 = arith.addf %add3A_42, %mul3A_51 : vector<16xf32>
        %get3A_53 = arith.index_cast %scan3A_27 : i32 to index
        %get3A_54 = arith.constant 32 : index
        %get3A_55 = tpu.vector_load %arg11[%get3A_53, %get3A_54] {strides = array<i32>} : memref<128x128xf32, #tpu.memory_space<vmem>>, vector<16xf32>,
        %get3A_56 = arith.index_cast %sub3A : i32 to index
        %get3A_57 = arith.constant 32 : index
        %get3A_58 = tpu.vector_load %arg9[%get3A_56, %get3A_57] {strides = array<i32>} : memref<200x128xf32, #tpu.memory_space<vmem>>, vector<16xf32>,
        %add3A_59 = arith.addf %get3A_55, %get3A_58 : vector<16xf32>
        %add3A_60 = arith.addf %add3A_50, %add3A_59 : vector<16xf32>
        %mul3A_61 = arith.mulf %add3A_59, %add3A_59 : vector<16xf32>
        %add3A_62 = arith.addf %add3A_52, %mul3A_61 : vector<16xf32>
        %get3A_63 = arith.index_cast %scan3A_27 : i32 to index
        %get3A_64 = arith.constant 48 : index
        %get3A_65 = tpu.vector_load %arg11[%get3A_63, %get3A_64] {strides = array<i32>} : memref<128x128xf32, #tpu.memory_space<vmem>>, vector<16xf32>,
        %get3A_66 = arith.index_cast %sub3A : i32 to index
        %get3A_67 = arith.constant 48 : index
        %get3A_68 = tpu.vector_load %arg9[%get3A_66, %get3A_67] {strides = array<i32>} : memref<200x128xf32, #tpu.memory_space<vmem>>, vector<16xf32>,
        %add3A_69 = arith.addf %get3A_65, %get3A_68 : vector<16xf32>
        %add3A_70 = arith.addf %add3A_60, %add3A_69 : vector<16xf32>
        %mul3A_71 = arith.mulf %add3A_69, %add3A_69 : vector<16xf32>
        %add3A_72 = arith.addf %add3A_62, %mul3A_71 : vector<16xf32>
        %get3A_73 = arith.index_cast %scan3A_27 : i32 to index
        %get3A_74 = arith.constant 64 : index
        %get3A_75 = tpu.vector_load %arg11[%get3A_73, %get3A_74] {strides = array<i32>} : memref<128x128xf32, #tpu.memory_space<vmem>>, vector<16xf32>,
        %get3A_76 = arith.index_cast %sub3A : i32 to index
        %get3A_77 = arith.constant 64 : index
        %get3A_78 = tpu.vector_load %arg9[%get3A_76, %get3A_77] {strides = array<i32>} : memref<200x128xf32, #tpu.memory_space<vmem>>, vector<16xf32>,
        %add3A_79 = arith.addf %get3A_75, %get3A_78 : vector<16xf32>
        %add3A_80 = arith.addf %add3A_70, %add3A_79 : vector<16xf32>
        %mul3A_81 = arith.mulf %add3A_79, %add3A_79 : vector<16xf32>
        %add3A_82 = arith.addf %add3A_72, %mul3A_81 : vector<16xf32>
        %get3A_83 = arith.index_cast %scan3A_27 : i32 to index
        %get3A_84 = arith.constant 80 : index
        %get3A_85 = tpu.vector_load %arg11[%get3A_83, %get3A_84] {strides = array<i32>} : memref<128x128xf32, #tpu.memory_space<vmem>>, vector<16xf32>,
        %get3A_86 = arith.index_cast %sub3A : i32 to index
        %get3A_87 = arith.constant 80 : index
        %get3A_88 = tpu.vector_load %arg9[%get3A_86, %get3A_87] {strides = array<i32>} : memref<200x128xf32, #tpu.memory_space<vmem>>, vector<16xf32>,
        %add3A_89 = arith.addf %get3A_85, %get3A_88 : vector<16xf32>
        %add3A_90 = arith.addf %add3A_80, %add3A_89 : vector<16xf32>
        %mul3A_91 = arith.mulf %add3A_89, %add3A_89 : vector<16xf32>
        %add3A_92 = arith.addf %add3A_82, %mul3A_91 : vector<16xf32>
        %get3A_93 = arith.index_cast %scan3A_27 : i32 to index
        %get3A_94 = arith.constant 96 : index
        %get3A_95 = tpu.vector_load %arg11[%get3A_93, %get3A_94] {strides = array<i32>} : memref<128x128xf32, #tpu.memory_space<vmem>>, vector<16xf32>,
        %get3A_96 = arith.index_cast %sub3A : i32 to index
        %get3A_97 = arith.constant 96 : index
        %get3A_98 = tpu.vector_load %arg9[%get3A_96, %get3A_97] {strides = array<i32>} : memref<200x128xf32, #tpu.memory_space<vmem>>, vector<16xf32>,
        %add3A_99 = arith.addf %get3A_95, %get3A_98 : vector<16xf32>
        %add3A_100 = arith.addf %add3A_90, %add3A_99 : vector<16xf32>
        %mul3A_101 = arith.mulf %add3A_99, %add3A_99 : vector<16xf32>
        %add3A_102 = arith.addf %add3A_92, %mul3A_101 : vector<16xf32>
        %get3A_103 = arith.index_cast %scan3A_27 : i32 to index
        %get3A_104 = arith.constant 112 : index
        %get3A_105 = tpu.vector_load %arg11[%get3A_103, %get3A_104] {strides = array<i32>} : memref<128x128xf32, #tpu.memory_space<vmem>>, vector<16xf32>,
        %get3A_106 = arith.index_cast %sub3A : i32 to index
        %get3A_107 = arith.constant 112 : index
        %get3A_108 = tpu.vector_load %arg9[%get3A_106, %get3A_107] {strides = array<i32>} : memref<200x128xf32, #tpu.memory_space<vmem>>, vector<16xf32>,
        %add3A_109 = arith.addf %get3A_105, %get3A_108 : vector<16xf32>
        %add3A_110 = arith.addf %add3A_100, %add3A_109 : vector<16xf32>
        %mul3A_111 = arith.mulf %add3A_109, %add3A_109 : vector<16xf32>
        %add3A_112 = arith.addf %add3A_102, %mul3A_111 : vector<16xf32>
        %xor3A = arith.constant 1 : i32
        %xor3A_113 = vector.broadcast %xor3A : i32 to vector<16xi32>
        %xor3A_114 = arith.xori %iota3A, %xor3A_113 : vector<16xi32>
        %lt3A = arith.constant 0 : i32
        %lt3A_115 = vector.broadcast %lt3A : i32 to vector<16xi32>
        %lt3A_116 = arith.cmpi slt, %xor3A_114, %lt3A_115 : vector<16xi32>
        %add3A_117 = arith.constant 16 : i32
        %add3A_118 = vector.broadcast %add3A_117 : i32 to vector<16xi32>
        %add3A_119 = arith.addi %xor3A_114, %add3A_118 : vector<16xi32>
        %select_n3A_120 = arith.select %lt3A_116, %add3A_119, %xor3A_114 : vector<16xi1>, vector<16xi32>
        %broadcast_in_dim3A_121 = vector.shape_cast %select_n3A_120 : vector<16xi32> to vector<16x1xi32>
        %gather3A = vector.shape_cast %broadcast_in_dim3A_121 : vector<16x1xi32> to vector<16xi32>
        %gather3A_122 = tpu.dynamic_gather %add3A_110[%gather3A] in [0] : vector<16xf32>, vector<16xi32> -> vector<16xf32>
        %add3A_123 = arith.addf %add3A_110, %gather3A_122 : vector<16xf32>
        %xor3A_124 = arith.constant 2 : i32
        %xor3A_125 = vector.broadcast %xor3A_124 : i32 to vector<16xi32>
        %xor3A_126 = arith.xori %iota3A, %xor3A_125 : vector<16xi32>
        %lt3A_127 = arith.constant 0 : i32
        %lt3A_128 = vector.broadcast %lt3A_127 : i32 to vector<16xi32>
        %lt3A_129 = arith.cmpi slt, %xor3A_126, %lt3A_128 : vector<16xi32>
        %add3A_130 = arith.constant 16 : i32
        %add3A_131 = vector.broadcast %add3A_130 : i32 to vector<16xi32>
        %add3A_132 = arith.addi %xor3A_126, %add3A_131 : vector<16xi32>
        %select_n3A_133 = arith.select %lt3A_129, %add3A_132, %xor3A_126 : vector<16xi1>, vector<16xi32>
        %broadcast_in_dim3A_134 = vector.shape_cast %select_n3A_133 : vector<16xi32> to vector<16x1xi32>
        %gather3A_135 = vector.shape_cast %broadcast_in_dim3A_134 : vector<16x1xi32> to vector<16xi32>
        %gather3A_136 = tpu.dynamic_gather %add3A_123[%gather3A_135] in [0] : vector<16xf32>, vector<16xi32> -> vector<16xf32>
        %add3A_137 = arith.addf %add3A_123, %gather3A_136 : vector<16xf32>
        %xor3A_138 = arith.constant 4 : i32
        %xor3A_139 = vector.broadcast %xor3A_138 : i32 to vector<16xi32>
        %xor3A_140 = arith.xori %iota3A, %xor3A_139 : vector<16xi32>
        %lt3A_141 = arith.constant 0 : i32
        %lt3A_142 = vector.broadcast %lt3A_141 : i32 to vector<16xi32>
        %lt3A_143 = arith.cmpi slt, %xor3A_140, %lt3A_142 : vector<16xi32>
        %add3A_144 = arith.constant 16 : i32
        %add3A_145 = vector.broadcast %add3A_144 : i32 to vector<16xi32>
        %add3A_146 = arith.addi %xor3A_140, %add3A_145 : vector<16xi32>
        %select_n3A_147 = arith.select %lt3A_143, %add3A_146, %xor3A_140 : vector<16xi1>, vector<16xi32>
        %broadcast_in_dim3A_148 = vector.shape_cast %select_n3A_147 : vector<16xi32> to vector<16x1xi32>
        %gather3A_149 = vector.shape_cast %broadcast_in_dim3A_148 : vector<16x1xi32> to vector<16xi32>
        %gather3A_150 = tpu.dynamic_gather %add3A_137[%gather3A_149] in [0] : vector<16xf32>, vector<16xi32> -> vector<16xf32>
        %add3A_151 = arith.addf %add3A_137, %gather3A_150 : vector<16xf32>
        %xor3A_152 = arith.constant 8 : i32
        %xor3A_153 = vector.broadcast %xor3A_152 : i32 to vector<16xi32>
        %xor3A_154 = arith.xori %iota3A, %xor3A_153 : vector<16xi32>
        %lt3A_155 = arith.constant 0 : i32
        %lt3A_156 = vector.broadcast %lt3A_155 : i32 to vector<16xi32>
        %lt3A_157 = arith.cmpi slt, %xor3A_154, %lt3A_156 : vector<16xi32>
        %add3A_158 = arith.constant 16 : i32
        %add3A_159 = vector.broadcast %add3A_158 : i32 to vector<16xi32>
        %add3A_160 = arith.addi %xor3A_154, %add3A_159 : vector<16xi32>
        %select_n3A_161 = arith.select %lt3A_157, %add3A_160, %xor3A_154 : vector<16xi1>, vector<16xi32>
        %broadcast_in_dim3A_162 = vector.shape_cast %select_n3A_161 : vector<16xi32> to vector<16x1xi32>
        %gather3A_163 = vector.shape_cast %broadcast_in_dim3A_162 : vector<16x1xi32> to vector<16xi32>
        %gather3A_164 = tpu.dynamic_gather %add3A_151[%gather3A_163] in [0] : vector<16xf32>, vector<16xi32> -> vector<16xf32>
        %add3A_165 = arith.addf %add3A_151, %gather3A_164 : vector<16xf32>
        %mul3A_166 = arith.constant 7.812500e-03 : f32
        %mul3A_167 = vector.broadcast %mul3A_166 : f32 to vector<16xf32>
        %mul3A_168 = arith.mulf %add3A_165, %mul3A_167 : vector<16xf32>
        %xor3A_169 = arith.constant 1 : i32
        %xor3A_170 = vector.broadcast %xor3A_169 : i32 to vector<16xi32>
        %xor3A_171 = arith.xori %iota3A, %xor3A_170 : vector<16xi32>
        %lt3A_172 = arith.constant 0 : i32
        %lt3A_173 = vector.broadcast %lt3A_172 : i32 to vector<16xi32>
        %lt3A_174 = arith.cmpi slt, %xor3A_171, %lt3A_173 : vector<16xi32>
        %add3A_175 = arith.constant 16 : i32
        %add3A_176 = vector.broadcast %add3A_175 : i32 to vector<16xi32>
        %add3A_177 = arith.addi %xor3A_171, %add3A_176 : vector<16xi32>
        %select_n3A_178 = arith.select %lt3A_174, %add3A_177, %xor3A_171 : vector<16xi1>, vector<16xi32>
        %broadcast_in_dim3A_179 = vector.shape_cast %select_n3A_178 : vector<16xi32> to vector<16x1xi32>
        %gather3A_180 = vector.shape_cast %broadcast_in_dim3A_179 : vector<16x1xi32> to vector<16xi32>
        %gather3A_181 = tpu.dynamic_gather %add3A_112[%gather3A_180] in [0] : vector<16xf32>, vector<16xi32> -> vector<16xf32>
        %add3A_182 = arith.addf %add3A_112, %gather3A_181 : vector<16xf32>
        %xor3A_183 = arith.constant 2 : i32
        %xor3A_184 = vector.broadcast %xor3A_183 : i32 to vector<16xi32>
        %xor3A_185 = arith.xori %iota3A, %xor3A_184 : vector<16xi32>
        %lt3A_186 = arith.constant 0 : i32
        %lt3A_187 = vector.broadcast %lt3A_186 : i32 to vector<16xi32>
        %lt3A_188 = arith.cmpi slt, %xor3A_185, %lt3A_187 : vector<16xi32>
        %add3A_189 = arith.constant 16 : i32
        %add3A_190 = vector.broadcast %add3A_189 : i32 to vector<16xi32>
        %add3A_191 = arith.addi %xor3A_185, %add3A_190 : vector<16xi32>
        %select_n3A_192 = arith.select %lt3A_188, %add3A_191, %xor3A_185 : vector<16xi1>, vector<16xi32>
        %broadcast_in_dim3A_193 = vector.shape_cast %select_n3A_192 : vector<16xi32> to vector<16x1xi32>
        %gather3A_194 = vector.shape_cast %broadcast_in_dim3A_193 : vector<16x1xi32> to vector<16xi32>
        %gather3A_195 = tpu.dynamic_gather %add3A_182[%gather3A_194] in [0] : vector<16xf32>, vector<16xi32> -> vector<16xf32>
        %add3A_196 = arith.addf %add3A_182, %gather3A_195 : vector<16xf32>
        %xor3A_197 = arith.constant 4 : i32
        %xor3A_198 = vector.broadcast %xor3A_197 : i32 to vector<16xi32>
        %xor3A_199 = arith.xori %iota3A, %xor3A_198 : vector<16xi32>
        %lt3A_200 = arith.constant 0 : i32
        %lt3A_201 = vector.broadcast %lt3A_200 : i32 to vector<16xi32>
        %lt3A_202 = arith.cmpi slt, %xor3A_199, %lt3A_201 : vector<16xi32>
        %add3A_203 = arith.constant 16 : i32
        %add3A_204 = vector.broadcast %add3A_203 : i32 to vector<16xi32>
        %add3A_205 = arith.addi %xor3A_199, %add3A_204 : vector<16xi32>
        %select_n3A_206 = arith.select %lt3A_202, %add3A_205, %xor3A_199 : vector<16xi1>, vector<16xi32>
        %broadcast_in_dim3A_207 = vector.shape_cast %select_n3A_206 : vector<16xi32> to vector<16x1xi32>
        %gather3A_208 = vector.shape_cast %broadcast_in_dim3A_207 : vector<16x1xi32> to vector<16xi32>
        %gather3A_209 = tpu.dynamic_gather %add3A_196[%gather3A_208] in [0] : vector<16xf32>, vector<16xi32> -> vector<16xf32>
        %add3A_210 = arith.addf %add3A_196, %gather3A_209 : vector<16xf32>
        %xor3A_211 = arith.constant 8 : i32
        %xor3A_212 = vector.broadcast %xor3A_211 : i32 to vector<16xi32>
        %xor3A_213 = arith.xori %iota3A, %xor3A_212 : vector<16xi32>
        %lt3A_214 = arith.constant 0 : i32
        %lt3A_215 = vector.broadcast %lt3A_214 : i32 to vector<16xi32>
        %lt3A_216 = arith.cmpi slt, %xor3A_213, %lt3A_215 : vector<16xi32>
        %add3A_217 = arith.constant 16 : i32
        %add3A_218 = vector.broadcast %add3A_217 : i32 to vector<16xi32>
        %add3A_219 = arith.addi %xor3A_213, %add3A_218 : vector<16xi32>
        %select_n3A_220 = arith.select %lt3A_216, %add3A_219, %xor3A_213 : vector<16xi1>, vector<16xi32>
        %broadcast_in_dim3A_221 = vector.shape_cast %select_n3A_220 : vector<16xi32> to vector<16x1xi32>
        %gather3A_222 = vector.shape_cast %broadcast_in_dim3A_221 : vector<16x1xi32> to vector<16xi32>
        %gather3A_223 = tpu.dynamic_gather %add3A_210[%gather3A_222] in [0] : vector<16xf32>, vector<16xi32> -> vector<16xf32>
        %add3A_224 = arith.addf %add3A_210, %gather3A_223 : vector<16xf32>
        %mul3A_225 = arith.constant 7.812500e-03 : f32
        %mul3A_226 = vector.broadcast %mul3A_225 : f32 to vector<16xf32>
        %mul3A_227 = arith.mulf %add3A_224, %mul3A_226 : vector<16xf32>
        %mul3A_228 = arith.mulf %mul3A_168, %mul3A_168 : vector<16xf32>
        %sub3A_229 = arith.subf %mul3A_227, %mul3A_228 : vector<16xf32>
        %add3A_230 = arith.constant 9.99999996E-13 : f32
        %add3A_231 = vector.broadcast %add3A_230 : f32 to vector<16xf32>
        %add3A_232 = arith.addf %sub3A_229, %add3A_231 : vector<16xf32>
        %bitcast3A = vector.bitcast %add3A_232 : vector<16xf32> to vector<16xi32>
        %shift_right_arithmetic3A = arith.constant 1 : i32
        %shift_right_arithmetic3A_233 = vector.broadcast %shift_right_arithmetic3A : i32 to vector<16xi32>
        %shift_right_arithmetic3A_234 = arith.shrsi %bitcast3A, %shift_right_arithmetic3A_233 : vector<16xi32>
        %sub3A_235 = arith.constant 1597463007 : i32
        %sub3A_236 = vector.broadcast %sub3A_235 : i32 to vector<16xi32>
        %sub3A_237 = arith.subi %sub3A_236, %shift_right_arithmetic3A_234 : vector<16xi32>
        %bitcast3A_238 = vector.bitcast %sub3A_237 : vector<16xi32> to vector<16xf32>
        %mul3A_239 = arith.constant 5.000000e-01 : f32
        %mul3A_240 = vector.broadcast %mul3A_239 : f32 to vector<16xf32>
        %mul3A_241 = arith.mulf %mul3A_240, %add3A_232 : vector<16xf32>
        %mul3A_242 = arith.mulf %mul3A_241, %bitcast3A_238 : vector<16xf32>
        %mul3A_243 = arith.mulf %mul3A_242, %bitcast3A_238 : vector<16xf32>
        %sub3A_244 = arith.constant 1.500000e+00 : f32
        %sub3A_245 = vector.broadcast %sub3A_244 : f32 to vector<16xf32>
        %sub3A_246 = arith.subf %sub3A_245, %mul3A_243 : vector<16xf32>
        %mul3A_247 = arith.mulf %bitcast3A_238, %sub3A_246 : vector<16xf32>
        %mul3A_248 = arith.constant 5.000000e-01 : f32
        %mul3A_249 = vector.broadcast %mul3A_248 : f32 to vector<16xf32>
        %mul3A_250 = arith.mulf %mul3A_249, %add3A_232 : vector<16xf32>
        %mul3A_251 = arith.mulf %mul3A_250, %mul3A_247 : vector<16xf32>
        %mul3A_252 = arith.mulf %mul3A_251, %mul3A_247 : vector<16xf32>
        %sub3A_253 = arith.constant 1.500000e+00 : f32
        %sub3A_254 = vector.broadcast %sub3A_253 : f32 to vector<16xf32>
        %sub3A_255 = arith.subf %sub3A_254, %mul3A_252 : vector<16xf32>
        %mul3A_256 = arith.mulf %mul3A_247, %sub3A_255 : vector<16xf32>
        %mul3A_257 = arith.constant 5.000000e-01 : f32
        %mul3A_258 = vector.broadcast %mul3A_257 : f32 to vector<16xf32>
        %mul3A_259 = arith.mulf %mul3A_258, %add3A_232 : vector<16xf32>
        %mul3A_260 = arith.mulf %mul3A_259, %mul3A_256 : vector<16xf32>
        %mul3A_261 = arith.mulf %mul3A_260, %mul3A_256 : vector<16xf32>
        %sub3A_262 = arith.constant 1.500000e+00 : f32
        %sub3A_263 = vector.broadcast %sub3A_262 : f32 to vector<16xf32>
        %sub3A_264 = arith.subf %sub3A_263, %mul3A_261 : vector<16xf32>
        %mul3A_265 = arith.mulf %mul3A_256, %sub3A_264 : vector<16xf32>
        %get3A_266 = arith.constant 0 : i32
        %get3A_267 = arith.index_cast %get3A_266 : i32 to index
        %get3A_268 = arith.constant 0 : index
        %get3A_269 = tpu.vector_load %arg10[%get3A_267, %get3A_268] {strides = array<i32>} : memref<2x128xf32, #tpu.memory_space<vmem>>, vector<16xf32>,
        %get3A_270 = arith.constant 1 : i32
        %get3A_271 = arith.index_cast %get3A_270 : i32 to index
        %get3A_272 = arith.constant 0 : index
        %get3A_273 = tpu.vector_load %arg10[%get3A_271, %get3A_272] {strides = array<i32>} : memref<2x128xf32, #tpu.memory_space<vmem>>, vector<16xf32>,
        %sub3A_274 = arith.subf %add3A_39, %mul3A_168 : vector<16xf32>
        %mul3A_275 = arith.mulf %sub3A_274, %mul3A_265 : vector<16xf32>
        %mul3A_276 = arith.mulf %mul3A_275, %get3A_269 : vector<16xf32>
        %add3A_277 = arith.addf %mul3A_276, %get3A_273 : vector<16xf32>
        %swap3A = arith.index_cast %scan3A_27 : i32 to index
        %swap3A_278 = arith.constant 0 : index
        %swap3A_279 = tpu.vector_load %arg11[%swap3A, %swap3A_278] {strides = array<i32>} : memref<128x128xf32, #tpu.memory_space<vmem>>, vector<16xf32>,
        tpu.vector_store %arg11[%swap3A, %swap3A_278], %add3A_277 {strides = array<i32>} : memref<128x128xf32, #tpu.memory_space<vmem>>, vector<16xf32>,
        %get3A_280 = arith.constant 0 : i32
        %get3A_281 = arith.index_cast %get3A_280 : i32 to index
        %get3A_282 = arith.constant 16 : index
        %get3A_283 = tpu.vector_load %arg10[%get3A_281, %get3A_282] {strides = array<i32>} : memref<2x128xf32, #tpu.memory_space<vmem>>, vector<16xf32>,
        %get3A_284 = arith.constant 1 : i32
        %get3A_285 = arith.index_cast %get3A_284 : i32 to index
        %get3A_286 = arith.constant 16 : index
        %get3A_287 = tpu.vector_load %arg10[%get3A_285, %get3A_286] {strides = array<i32>} : memref<2x128xf32, #tpu.memory_space<vmem>>, vector<16xf32>,
        %sub3A_288 = arith.subf %add3A_49, %mul3A_168 : vector<16xf32>
        %mul3A_289 = arith.mulf %sub3A_288, %mul3A_265 : vector<16xf32>
        %mul3A_290 = arith.mulf %mul3A_289, %get3A_283 : vector<16xf32>
        %add3A_291 = arith.addf %mul3A_290, %get3A_287 : vector<16xf32>
        %swap3A_292 = arith.index_cast %scan3A_27 : i32 to index
        %swap3A_293 = arith.constant 16 : index
        %swap3A_294 = tpu.vector_load %arg11[%swap3A_292, %swap3A_293] {strides = array<i32>} : memref<128x128xf32, #tpu.memory_space<vmem>>, vector<16xf32>,
        tpu.vector_store %arg11[%swap3A_292, %swap3A_293], %add3A_291 {strides = array<i32>} : memref<128x128xf32, #tpu.memory_space<vmem>>, vector<16xf32>,
        %get3A_295 = arith.constant 0 : i32
        %get3A_296 = arith.index_cast %get3A_295 : i32 to index
        %get3A_297 = arith.constant 32 : index
        %get3A_298 = tpu.vector_load %arg10[%get3A_296, %get3A_297] {strides = array<i32>} : memref<2x128xf32, #tpu.memory_space<vmem>>, vector<16xf32>,
        %get3A_299 = arith.constant 1 : i32
        %get3A_300 = arith.index_cast %get3A_299 : i32 to index
        %get3A_301 = arith.constant 32 : index
        %get3A_302 = tpu.vector_load %arg10[%get3A_300, %get3A_301] {strides = array<i32>} : memref<2x128xf32, #tpu.memory_space<vmem>>, vector<16xf32>,
        %sub3A_303 = arith.subf %add3A_59, %mul3A_168 : vector<16xf32>
        %mul3A_304 = arith.mulf %sub3A_303, %mul3A_265 : vector<16xf32>
        %mul3A_305 = arith.mulf %mul3A_304, %get3A_298 : vector<16xf32>
        %add3A_306 = arith.addf %mul3A_305, %get3A_302 : vector<16xf32>
        %swap3A_307 = arith.index_cast %scan3A_27 : i32 to index
        %swap3A_308 = arith.constant 32 : index
        %swap3A_309 = tpu.vector_load %arg11[%swap3A_307, %swap3A_308] {strides = array<i32>} : memref<128x128xf32, #tpu.memory_space<vmem>>, vector<16xf32>,
        tpu.vector_store %arg11[%swap3A_307, %swap3A_308], %add3A_306 {strides = array<i32>} : memref<128x128xf32, #tpu.memory_space<vmem>>, vector<16xf32>,
        %get3A_310 = arith.constant 0 : i32
        %get3A_311 = arith.index_cast %get3A_310 : i32 to index
        %get3A_312 = arith.constant 48 : index
        %get3A_313 = tpu.vector_load %arg10[%get3A_311, %get3A_312] {strides = array<i32>} : memref<2x128xf32, #tpu.memory_space<vmem>>, vector<16xf32>,
        %get3A_314 = arith.constant 1 : i32
        %get3A_315 = arith.index_cast %get3A_314 : i32 to index
        %get3A_316 = arith.constant 48 : index
        %get3A_317 = tpu.vector_load %arg10[%get3A_315, %get3A_316] {strides = array<i32>} : memref<2x128xf32, #tpu.memory_space<vmem>>, vector<16xf32>,
        %sub3A_318 = arith.subf %add3A_69, %mul3A_168 : vector<16xf32>
        %mul3A_319 = arith.mulf %sub3A_318, %mul3A_265 : vector<16xf32>
        %mul3A_320 = arith.mulf %mul3A_319, %get3A_313 : vector<16xf32>
        %add3A_321 = arith.addf %mul3A_320, %get3A_317 : vector<16xf32>
        %swap3A_322 = arith.index_cast %scan3A_27 : i32 to index
        %swap3A_323 = arith.constant 48 : index
        %swap3A_324 = tpu.vector_load %arg11[%swap3A_322, %swap3A_323] {strides = array<i32>} : memref<128x128xf32, #tpu.memory_space<vmem>>, vector<16xf32>,
        tpu.vector_store %arg11[%swap3A_322, %swap3A_323], %add3A_321 {strides = array<i32>} : memref<128x128xf32, #tpu.memory_space<vmem>>, vector<16xf32>,
        %get3A_325 = arith.constant 0 : i32
        %get3A_326 = arith.index_cast %get3A_325 : i32 to index
        %get3A_327 = arith.constant 64 : index
        %get3A_328 = tpu.vector_load %arg10[%get3A_326, %get3A_327] {strides = array<i32>} : memref<2x128xf32, #tpu.memory_space<vmem>>, vector<16xf32>,
        %get3A_329 = arith.constant 1 : i32
        %get3A_330 = arith.index_cast %get3A_329 : i32 to index
        %get3A_331 = arith.constant 64 : index
        %get3A_332 = tpu.vector_load %arg10[%get3A_330, %get3A_331] {strides = array<i32>} : memref<2x128xf32, #tpu.memory_space<vmem>>, vector<16xf32>,
        %sub3A_333 = arith.subf %add3A_79, %mul3A_168 : vector<16xf32>
        %mul3A_334 = arith.mulf %sub3A_333, %mul3A_265 : vector<16xf32>
        %mul3A_335 = arith.mulf %mul3A_334, %get3A_328 : vector<16xf32>
        %add3A_336 = arith.addf %mul3A_335, %get3A_332 : vector<16xf32>
        %swap3A_337 = arith.index_cast %scan3A_27 : i32 to index
        %swap3A_338 = arith.constant 64 : index
        %swap3A_339 = tpu.vector_load %arg11[%swap3A_337, %swap3A_338] {strides = array<i32>} : memref<128x128xf32, #tpu.memory_space<vmem>>, vector<16xf32>,
        tpu.vector_store %arg11[%swap3A_337, %swap3A_338], %add3A_336 {strides = array<i32>} : memref<128x128xf32, #tpu.memory_space<vmem>>, vector<16xf32>,
        %get3A_340 = arith.constant 0 : i32
        %get3A_341 = arith.index_cast %get3A_340 : i32 to index
        %get3A_342 = arith.constant 80 : index
        %get3A_343 = tpu.vector_load %arg10[%get3A_341, %get3A_342] {strides = array<i32>} : memref<2x128xf32, #tpu.memory_space<vmem>>, vector<16xf32>,
        %get3A_344 = arith.constant 1 : i32
        %get3A_345 = arith.index_cast %get3A_344 : i32 to index
        %get3A_346 = arith.constant 80 : index
        %get3A_347 = tpu.vector_load %arg10[%get3A_345, %get3A_346] {strides = array<i32>} : memref<2x128xf32, #tpu.memory_space<vmem>>, vector<16xf32>,
        %sub3A_348 = arith.subf %add3A_89, %mul3A_168 : vector<16xf32>
        %mul3A_349 = arith.mulf %sub3A_348, %mul3A_265 : vector<16xf32>
        %mul3A_350 = arith.mulf %mul3A_349, %get3A_343 : vector<16xf32>
        %add3A_351 = arith.addf %mul3A_350, %get3A_347 : vector<16xf32>
        %swap3A_352 = arith.index_cast %scan3A_27 : i32 to index
        %swap3A_353 = arith.constant 80 : index
        %swap3A_354 = tpu.vector_load %arg11[%swap3A_352, %swap3A_353] {strides = array<i32>} : memref<128x128xf32, #tpu.memory_space<vmem>>, vector<16xf32>,
        tpu.vector_store %arg11[%swap3A_352, %swap3A_353], %add3A_351 {strides = array<i32>} : memref<128x128xf32, #tpu.memory_space<vmem>>, vector<16xf32>,
        %get3A_355 = arith.constant 0 : i32
        %get3A_356 = arith.index_cast %get3A_355 : i32 to index
        %get3A_357 = arith.constant 96 : index
        %get3A_358 = tpu.vector_load %arg10[%get3A_356, %get3A_357] {strides = array<i32>} : memref<2x128xf32, #tpu.memory_space<vmem>>, vector<16xf32>,
        %get3A_359 = arith.constant 1 : i32
        %get3A_360 = arith.index_cast %get3A_359 : i32 to index
        %get3A_361 = arith.constant 96 : index
        %get3A_362 = tpu.vector_load %arg10[%get3A_360, %get3A_361] {strides = array<i32>} : memref<2x128xf32, #tpu.memory_space<vmem>>, vector<16xf32>,
        %sub3A_363 = arith.subf %add3A_99, %mul3A_168 : vector<16xf32>
        %mul3A_364 = arith.mulf %sub3A_363, %mul3A_265 : vector<16xf32>
        %mul3A_365 = arith.mulf %mul3A_364, %get3A_358 : vector<16xf32>
        %add3A_366 = arith.addf %mul3A_365, %get3A_362 : vector<16xf32>
        %swap3A_367 = arith.index_cast %scan3A_27 : i32 to index
        %swap3A_368 = arith.constant 96 : index
        %swap3A_369 = tpu.vector_load %arg11[%swap3A_367, %swap3A_368] {strides = array<i32>} : memref<128x128xf32, #tpu.memory_space<vmem>>, vector<16xf32>,
        tpu.vector_store %arg11[%swap3A_367, %swap3A_368], %add3A_366 {strides = array<i32>} : memref<128x128xf32, #tpu.memory_space<vmem>>, vector<16xf32>,
        %get3A_370 = arith.constant 0 : i32
        %get3A_371 = arith.index_cast %get3A_370 : i32 to index
        %get3A_372 = arith.constant 112 : index
        %get3A_373 = tpu.vector_load %arg10[%get3A_371, %get3A_372] {strides = array<i32>} : memref<2x128xf32, #tpu.memory_space<vmem>>, vector<16xf32>,
        %get3A_374 = arith.constant 1 : i32
        %get3A_375 = arith.index_cast %get3A_374 : i32 to index
        %get3A_376 = arith.constant 112 : index
        %get3A_377 = tpu.vector_load %arg10[%get3A_375, %get3A_376] {strides = array<i32>} : memref<2x128xf32, #tpu.memory_space<vmem>>, vector<16xf32>,
        %sub3A_378 = arith.subf %add3A_109, %mul3A_168 : vector<16xf32>
        %mul3A_379 = arith.mulf %sub3A_378, %mul3A_265 : vector<16xf32>
        %mul3A_380 = arith.mulf %mul3A_379, %get3A_373 : vector<16xf32>
        %add3A_381 = arith.addf %mul3A_380, %get3A_377 : vector<16xf32>
        %swap3A_382 = arith.index_cast %scan3A_27 : i32 to index
        %swap3A_383 = arith.constant 112 : index
        %swap3A_384 = tpu.vector_load %arg11[%swap3A_382, %swap3A_383] {strides = array<i32>} : memref<128x128xf32, #tpu.memory_space<vmem>>, vector<16xf32>,
        tpu.vector_store %arg11[%swap3A_382, %swap3A_383], %add3A_381 {strides = array<i32>} : memref<128x128xf32, #tpu.memory_space<vmem>>, vector<16xf32>,
      }
      %scan3A_25 = arith.constant 128 : i32
      %add3A_26 = arith.addi %mul3A_2, %mul3A_11 : i32
      "tpu.region"() ({
        %run_scoped3A_27 = tpu.sem_alloc : memref<!tpu.dma_semaphore, #tpu.memory_space<semaphore_mem>>
        %dma_start3A_28 = arith.constant 0 : i32
        %dma_start3A_29 = tpu.memref_slice %arg7[%add3A_26, %dma_start3A_28] : memref<204800x128xf32, #tpu.memory_space<hbm>> -> memref<128x128xf32, #tpu.memory_space<hbm>>
        %dma_start3A_30 = arith.constant 0 : i32
        %dma_start3A_31 = tpu.memref_slice %arg7[%add3A_26, %dma_start3A_30] : memref<204800x128xf32, #tpu.memory_space<hbm>> -> memref<128x128xf32, #tpu.memory_space<hbm>>
        tpu.enqueue_dma source(%arg11 : memref<128x128xf32, #tpu.memory_space<vmem>>) target(%dma_start3A_31 : memref<128x128xf32, #tpu.memory_space<hbm>>) target_semaphore(%run_scoped3A_27 : memref<!tpu.dma_semaphore, #tpu.memory_space<semaphore_mem>>)
        %dma_wait3A_32 = arith.constant 0 : i32
        %dma_wait3A_33 = tpu.memref_slice %arg7[%add3A_26, %dma_wait3A_32] : memref<204800x128xf32, #tpu.memory_space<hbm>> -> memref<128x128xf32, #tpu.memory_space<hbm>>
        %dma_wait3A_34 = arith.constant 0 : i32
        %dma_wait3A_35 = tpu.memref_slice %arg7[%add3A_26, %dma_wait3A_34] : memref<204800x128xf32, #tpu.memory_space<hbm>> -> memref<128x128xf32, #tpu.memory_space<hbm>>
        tpu.wait_dma2 semaphore(%run_scoped3A_27 : memref<!tpu.dma_semaphore, #tpu.memory_space<semaphore_mem>>) src(%arg11 : memref<128x128xf32, #tpu.memory_space<vmem>>) dst(%dma_wait3A_35 : memref<128x128xf32, #tpu.memory_space<hbm>>)
        tpu.yield
      }) : () -> ()
    }
    %scan3A_8 = arith.constant 50 : i32
    return
  }
}

</mosaic_0001>

<sc_bundles>
// kernel: _run.3.cloned.1.call-start
scs
__scs_entry_jumppad:
0x0: {  	(pc) =	sbr.rel $0x88, $3  }
0x1: {  	(tag) =	ssettag $0x0;
	lr =	simm.s32 $0x1  }
0x2: {  	[smem:$0x3F9C] =	sst lr;
	_ =	strace $0xD0000000  }
0x3: {  	_ = 	snop  }
0x4: {  	_ = 	snop  }
0x5: {  	_ = 	snop  }
0x6: {  	_ = 	snop  }
0x7: {  	_ = 	snop  }
__scs_overlays_trampoline_lowered:
0x8: {  	[smem:$0x3FAB] =	sst s0  }
0x9: {  	[smem:$0x3FAC] =	sst s1  }
0xa: {  	[smem:$0x3FAD] =	sst s2  }
0xb: {  	[smem:$0x3FAE] =	sst s3  }
0xc: {  	[smem:$0x3FAF] =	sst s4  }
0xd: {  	[smem:$0x3FB0] =	sst s5  }
0xe: {  	[smem:$0x3FB1] =	sst s6  }
0xf: {  	[smem:$0x3FB2] =	sst s7  }
0x10: {  	[smem:$0x3FB3] =	sst s8  }
0x11: {  	[smem:$0x3FB4] =	sst s9;
	s0 =	simm.s32 @!p0 $0x0  }
0x12: {  	s1 =	sld [smem:$0x3F9A];
	s0 =	simm.s32 @p0 $0x1  }
0x13: {  	[smem:$0x3FB5] =	sst s0;
	s0 =	simm.s32 @!p1 $0x0  }
0x14: {  	s2 =	sld [smem:$0x3F99];
	s0 =	simm.s32 @p1 $0x1  }
0x15: {  	[smem:$0x3FB6] =	sst s0;
	s0 =	simm.s32 @!p2 $0x0  }
0x16: {  	s3 =	sld [smem:$0x3FDB];
	s0 =	simm.s32 @p2 $0x1  }
0x17: {  	s4 =	simm.s32 $0x1BF5;
	[smem:$0x3FB8] =	sst s0  }
0x18: {  	s0 =	sld [smem:$0x3F9B];
	_ =	swait.ge [sflag:s4], $0x0  }
0x19: {  	s7 =	sld [smem:$0x3F9C]  }
0x1a: {  	s8 =	sadd.s32 $0xFFFFE003, lr  }
0x1b: {  	s9 =	sadd.s32 $0xFFFFFEF7, lr;
	s5 =	simm.s32 $0xFFFFFFFF;
	p2 =	slt.u32 s8, $0xFFFFF086  }
0x1c: {  	p1 =	slt.u32 s9, $0xF7A;
	s5 =	simm.s32 @!p2 $0x0  }
0x1d: {  	s5 =	simm.s32 @p1 $0x1;
	p0 =	seq.s32 s7, s2  }
0x1e: {  	s7 =	smul.u32 @!p0 $0xF7A, s2;
	p2 =	seq.s32 @!p0 s5, $0x0  }
0x1f: {  	s9 =	smul.u32 $0xF7A, s1;
	s8 =	simm.s32 @!p0 $0x1BF5;
	p2 =	por !p2, p0  }
0x20: {  	[sflag:s8] =	ssyncset.s32 @!p0 $0xFFFFF086;
	s6 =	sadd.s32 @!p0 s3, s7;
	s7 =	simm.s32 @!p0 $0x108  }
0x21: {  	s3 =	sadd.s32 s3, s9;
	s6 =	sadd.s32 @!p0 $0x88, s6;
	s7 =	simm.s32 @p2 $0x1082  }
0x22: {  	[simem:s7], [sflag:s8] =	dma.local @!p0 [hbm:s6], $0xF7A  }
0x23: {  	s9 =	sor.u32 $0xD0000000, s2;
	s6 =	simm.s32 $0x108;
	_ =	swait.ge @!p0 [sflag:s8], $0x0  }
0x24: {  	s3 =	sadd.s32 $0x88, s3;
	s6 =	simm.s32 @!p1 $0x1082;
	[sflag:s4] =	ssyncset.s32 $0xFFFFF086  }
0x25: {  	[simem:s6], [sflag:s4] =	dma.local [hbm:s3], $0xF7A  }
0x26: {  	[smem:$0x3F9C] =	sst s1;
	(tag) =	ssettag s2;
	_ =	strace s9  }
0x27: {  	s1 =	sld [smem:$0x3FAC]  }
0x28: {  	s2 =	sld [smem:$0x3FAD]  }
0x29: {  	s4 =	sld [smem:$0x3FAF]  }
0x2a: {  	p0 =	seq.s32 s5, $0x0;
	s5 =	sld [smem:$0x3FB0]  }
0x2b: {  	s6 =	sld [smem:$0x3FB1]  }
0x2c: {  	s7 =	sld [smem:$0x3FB2]  }
0x2d: {  	s3 =	simm.s32 $0x108;
	s8 =	sld [smem:$0x3FB3]  }
0x2e: {  	s3 =	simm.s32 @!p0 $0x1082;
	s9 =	sld [smem:$0x3FB4]  }
0x2f: {  	lr =	sadd.s32 s0, s3;
	s0 =	sld [smem:$0x3FAB]  }
0x30: {  	s3 =	sld [smem:$0x3FAE]  }
0x31: {  	[smem:$0x3FB7] =	sst s10  }
0x32: {  	s10 =	sld [smem:$0x3FB5];
	_ =	sdelay $0x3  }
0x33: {  	p0 =	seq.s32 s10, $0x1;
	s10 =	sld [smem:$0x3FB7];
	_ =	sdelay $0x3  }
0x34: {  	[smem:$0x3FB7] =	sst s10  }
0x35: {  	s10 =	sld [smem:$0x3FB6];
	_ =	sdelay $0x3  }
0x36: {  	p1 =	seq.s32 s10, $0x1;
	s10 =	sld [smem:$0x3FB7];
	_ =	sdelay $0x3  }
0x37: {  	[smem:$0x3FB7] =	sst s10  }
0x38: {  	s10 =	sld [smem:$0x3FB8]  }
0x39: {  	_ = 	snop;
	(pc) =	sbr.ind lr, $3  }
0x3a: {  	_ = 	snop  }
0x3b: {  	_ = 	snop  }
0x3c: {  	p2 =	seq.s32 s10, $0x1;
	s10 =	sld [smem:$0x3FB7]  }
0x3d: {  	_ =	shalt  }
0x3e: {  	_ =	shalt  }
0x3f: {  	_ =	shalt  }
0x40: {  	_ =	shalt  }
0x41: {  	_ =	shalt  }
0x42: {  	_ =	shalt  }
0x43: {  	_ =	shalt  }
0x44: {  	_ =	shalt  }
0x45: {  	_ =	shalt  }
0x46: {  	_ =	shalt  }
0x47: {  	_ =	shalt  }
0x48: {  	_ =	shalt  }
0x49: {  	_ =	shalt  }
0x4a: {  	_ =	shalt  }
0x4b: {  	_ =	shalt  }
0x4c: {  	_ =	shalt  }
0x4d: {  	_ =	shalt  }
0x4e: {  	_ =	shalt  }
0x4f: {  	_ =	shalt  }
0x50: {  	_ =	shalt  }
0x51: {  	_ =	shalt  }
0x52: {  	_ =	shalt  }
0x53: {  	_ =	shalt  }
0x54: {  	_ =	shalt  }
0x55: {  	_ =	shalt  }
0x56: {  	_ =	shalt  }
0x57: {  	_ =	shalt  }
0x58: {  	_ =	shalt  }
0x59: {  	_ =	shalt  }
0x5a: {  	_ =	shalt  }
0x5b: {  	_ =	shalt  }
0x5c: {  	_ =	shalt  }
0x5d: {  	_ =	shalt  }
0x5e: {  	_ =	shalt  }
0x5f: {  	_ =	shalt  }
0x60: {  	_ =	shalt  }
0x61: {  	_ =	shalt  }
0x62: {  	_ =	shalt  }
0x63: {  	_ =	shalt  }
0x64: {  	_ =	shalt  }
0x65: {  	_ =	shalt  }
0x66: {  	_ =	shalt  }
0x67: {  	_ =	shalt  }
0x68: {  	_ =	shalt  }
0x69: {  	_ =	shalt  }
0x6a: {  	_ =	shalt  }
0x6b: {  	_ =	shalt  }
0x6c: {  	_ =	shalt  }
0x6d: {  	_ =	shalt  }
0x6e: {  	_ =	shalt  }
0x6f: {  	_ =	shalt  }
0x70: {  	_ =	shalt  }
0x71: {  	_ =	shalt  }
0x72: {  	_ =	shalt  }
0x73: {  	_ =	shalt  }
0x74: {  	_ =	shalt  }
0x75: {  	_ =	shalt  }
0x76: {  	_ =	shalt  }
0x77: {  	_ =	shalt  }
0x78: {  	_ =	shalt  }
0x79: {  	_ =	shalt  }
0x7a: {  	_ =	shalt  }
0x7b: {  	_ =	shalt  }
0x7c: {  	_ =	shalt  }
0x7d: {  	_ =	shalt  }
0x7e: {  	_ =	shalt  }
0x7f: {  	_ =	shalt  }
0x80: {  	_ =	shalt  }
0x81: {  	_ =	shalt  }
0x82: {  	_ =	shalt  }
0x83: {  	_ =	shalt  }
0x84: {  	_ =	shalt  }
0x85: {  	_ =	shalt  }
0x86: {  	_ =	shalt  }
0x87: {  	_ =	shalt  }
.Lfunc_end0:
.L_simem_size_0:
called_computation_lowered:
.L_overlay_start_0:
0x88: {  	s2 =	sld [smem:$0x3FD9]  }
0x89: {  	s3 =	sld [smem:$0x3FFE];
	_ =	sdelay $0x1  }
0x8a: {  	s1 =	srdreg.scid  }
0x8b: {  	s0 =	sand.u32 $0x1, s1  }
0x8c: {  	s18 =	sshll.u32 s0, $0xA;
	s2 =	sadd.s32 s3, s2  }
0x8d: {  	s2 =	sadd.s32 s2, s18  }
0x8e: {  	[smem:$0x3FC3] =	sst s2  }
0x8f: {  	_ = 	snop  }
0x90: {  	s2 =	sld [smem:$0x3FC9]  }
0x91: {  	s19 =	sld [smem:$0x3FC8]  }
0x92: {  	s4 =	sld [smem:$0x3FC7]  }
0x93: {  	s5 =	sld [smem:$0x3FC6]  }
0x94: {  	s6 =	sld [smem:$0x3FC5]  }
0x95: {  	s7 =	sld [smem:$0x3FD0];
	(tm) =	ssettm $0x1  }
0x96: {  	s8 =	sld [smem:$0x3FFB];
	_ =	sdelay $0x3  }
0x97: {  	_ =	strace s8  }
0x98: {  	s8 =	sld [smem:$0x3FFC];
	_ =	sdelay $0x3  }
0x99: {  	_ =	strace s8  }
0x9a: {  	s8 =	sld [smem:$0x3FFD];
	_ =	sdelay $0x3  }
0x9b: {  	_ =	strace s8  }
0x9c: {  	_ =	strace $0x8FFFFFFF  }
0x9d: {  	s20 =	sld [smem:$0x3FDB];
	_ =	sdelay $0x1  }
0x9e: {  	s9 =	simm.s32 $_scs_section_size  }
0x9f: {  	s10 =	simm.s32 $_size__tile_overlayer_lowered;
	s11 =	simm.s32 $_tile_overlayer_lowered  }
0xa0: {  	s23 =	simm.s32 $0x1BFF;
	s22 =	sshll.u32 s11, $0x1;
	s8 =	sadd.s32 s9, s20  }
0xa1: {  	s12 =	simm.s32 $0x0;
	s21 =	sshll.u32 s10, $0x1;
	s10 =	sadd.s32 s22, s8  }
0xa2: {  	[timem:s12], [sflag:s23] =	dma.local [hbm:s10], s21  }
0xa3: {  	_ =	swait.ge [sflag:s23], s21  }
0xa4: {  	s9 =	ssub.s32 $0x0, s21;
	[sflag:s23] =	ssyncset.done $0x0  }
0xa5: {  	[sflag:s23] =	ssyncadd.s32 s9;
	_ =	sdelay $0x1  }
0xa6: {  	s24 =	simm.s32 $0x1B8B  }
0xa7: {  	_ =	swait.ge [sflag:s24], $0x1  }
0xa8: {  	[sflag:s24] =	ssyncset.done $0x0  }
0xa9: {  	s25 =	simm.s32 $0x1B8E;
	[sflag:s24] =	ssyncadd.s32 $0xFFFFFFFF  }
0xaa: {  	s26 =	simm.s32 $execute0_lowered;
	[smem:$0x3FD2] =	sst s25  }
0xab: {  	s9 =	sshll.u32 s26, $0x1;
	_ =	strace $0x80000046;
	[dreg:$0x1] =	wrdreg $0xFFFFFFFF  }
0xac: {  	s28 =	simm.s32 $_size_execute0_lowered;
	s8 =	sadd.s32 s8, s9;
	[dreg:$0x0] =	wrdreg $0x0  }
0xad: {  	s9 =	sshll.u32 s28, $0x1;
	[dreg:$0x2] =	wrdreg s8  }
0xae: {  	[dreg:$0x3] =	wrdreg s9  }
0xaf: {  	[dreg:$0x4] =	wrdreg $0xC0  }
0xb0: {  	_ =	task [dreg:s12], $0x5FFFF  }
0xb1: {  	[dreg:$0x1] =	wrdreg $0xFFFFFFFF  }
0xb2: {  	[dreg:$0x0] =	wrdreg $0x60  }
0xb3: {  	[dreg:$0x2] =	wrdreg s2  }
0xb4: {  	[dreg:$0x3] =	wrdreg s19  }
0xb5: {  	[dreg:$0x4] =	wrdreg s4  }
0xb6: {  	[dreg:$0x5] =	wrdreg s5  }
0xb7: {  	[dreg:$0x6] =	wrdreg s6  }
0xb8: {  	[dreg:$0x7] =	wrdreg s7  }
0xb9: {  	[dreg:$0x8] =	wrdreg $0x9  }
0xba: {  	_ =	task.clear_ibuf [dreg:s12], $0x9FFFF;
	_ =	strace $0x90000046  }
0xbb: {  	s29 =	simm.s32 $0x9;
	_ =	strace $0x80000048  }
0xbc: {  	_ =	swait.ge [sflag:s29], $0x1  }
0xbd: {  	[sflag:s29] =	ssyncadd.s32 $0xFFFFFFFF  }
0xbe: {  	_ =	strace $0x90000048  }
0xbf: {  	_ =	sfence  }
0xc0: {  	s30 =	sld [smem:$0x0];
	_ =	sdelay $0x2  }
0xc1: {  	s31 =	sshll.u32 s1, $0xD;
	s1 =	sshrl.u32 s1, $0x2  }
0xc2: {  	s3 =	sand.u32 $0x4000, s31;
	s1 =	sadd.s32 s1, s30  }
0xc3: {  	s0 =	sor.u32 s3, s0;
	s1 =	sshll.u32 s1, $0x11  }
0xc4: {  	s0 =	sor.u32 s1, s0  }
0xc5: {  	s0 =	sadd.s32 $0x8F2B, s0  }
0xc6: {  	[sflag:s0] =	ssyncadd.remote.s32 $0x1  }
0xc7: {  	_ =	sfence.sel $0xFFFF  }
0xc8: {  	[dreg:$0x0] =	wrdreg $0xFFFFFFFF;
	(pc) =	sbr.abs _section_cstart, $3  }
0xc9: {  	[dreg:$0x1] =	wrdreg $0xFFFFFFFF  }
0xca: {  	_ =	task.clear_ibuf [dreg:s12], $0x2FFFF;
	_ =	strace $0x9FFFFFFF  }
0xcb: {  	(tm) =	ssettm $0x7FFFFFFF  }
tec
execute0_lowered:
.L_overlay_start_1:
0x0: {  	(tag) =	ssettag $0x1  }
0x1: {  	s9 =	rddreg [dreg:$0x0]  }
0x2: {  	s0 =	rddreg [dreg:$0x1]  }
0x3: {  	s1 =	rddreg [dreg:$0x2];
	v0 =	vimm.s32 $0xEFCDAB89  }
0x4: {  	s2 =	rddreg [dreg:$0x3];
	v1 =	vimm.s32 $0x67452301;
	v2 =	vimm.s32 $0xDCFE98BA;
	v3 =	vimm.s32 $0x54761032  }
0x5: {  	s4 =	rddreg [dreg:$0x4];
	s5 =	srdreg.scid;
	v4 =	vimm.s32 $0xBA98FEDC;
	v5 =	vimm.s32 $0x32107654;
	v6 =	vimm.s32 $0xFEDCBA98  }
0x6: {  	s3 =	stileid.u32;
	s6 =	rddreg [dreg:$0x5];
	v7 =	vimm.s32 $0x76543210;
	s15 =	simm.s32 $0x7D80;
	v0 =	vunpack.c.l.s4.s8 v0;
	v1 =	vunpack.c.l.s4.s8 v1  }
0x7: {  	s16 =	simm.s32 $0x80;
	s17 =	simm.s32 $0x7E00;
	s18 =	simm.s32 $0x1;
	v2 =	vunpack.c.l.s4.s8 v2;
	v3 =	vunpack.c.l.s4.s8 v3;
	v4 =	vunpack.c.l.s4.s8 v4  }
0x8: {  	s19 =	simm.s32 $0x0;
	s10 =	sand.u32 $0x1, s5;
	s7 =	sshll.u32 s3, $0x1;
	v5 =	vunpack.c.l.s4.s8 v5;
	v6 =	vunpack.c.l.s4.s8 v6;
	v7 =	vunpack.c.l.s4.s8 v7  }
0x9: {  	s5 =	rddreg [dreg:$0x6];
	s13 =	smul.u32 $0x3200, s3;
	s8 =	sor.u32 s10, s7;
	v0 =	vunpack.c.0.s8.s32 v0;
	v1 =	vunpack.c.0.s8.s32 v1;
	v2 =	vunpack.c.0.s8.s32 v2  }
0xa: {  	s7 =	simm.s32 $0x0;
	s11 =	ssub.s32 $0x2, s10;
	s14 =	smul.u32 $0x1900, s10;
	v3 =	vunpack.c.0.s8.s32 v3;
	v4 =	vunpack.c.0.s8.s32 v4;
	v5 =	vunpack.c.0.s8.s32 v5  }
0xb: {  	s8 =	smul.u32 $0x1900, s8;
	[smem:$0x7FF] =	sst s7;
	s12 =	sshrl.u32 s11, $0x1;
	v0 =	vcombine.low v1, v0;
	v1 =	vunpack.c.0.s8.s32 v6  }
0xc: {  	s11 =	ssub.s32 s11, s12;
	_ =	strace $0x80000047;
	s12 =	simm.s32 $0x2;
	v2 =	vcombine.low v3, v2;
	v3 =	vcombine.low v5, v4;
	v4 =	vunpack.c.0.s8.s32 v7  }
0xd: {  	s31 =	sshrl.u32 s8, $0x3;
	s10 =	smax.u32 s11, $0x1;
	s11 =	sadd.s32 s14, s13;
	v0 =	vand.u32 $0xF, v0;
	v5 =	vand.u32 $0xF, v1  }
0xe: {  	s13 =	simm.s32 $0x1900;
	s14 =	simm.s32 $0x7D00;
	s9 =	sadd.s32 s9, s31;
	v1 =	vand.u32 $0xF, v2;
	v2 =	vand.u32 $0xF, v3;
	v3 =	vcombine.low v5, v4  }
.LBB2_1:
0xf: {  	[tilespmem:s7], [sflag:$0x2] =	stream.linear.gather [hbm4b:s9+s7], $0x1900, $0x38;
	[tilespmem:$0xBE00] =	vst v63  }
0x10: {  	_ =	swait.ge [sflag:s12], $0x1900  }
0x11: {  	[sflag:s12] =	ssyncset.done $0x0  }
0x12: {  	[sflag:s12] =	ssyncadd.s32 $0xFFFFE700  }
0x13: {  	[tilespmem:s13], [sflag:$0x2] =	stream.linear.gather [hbm4b:s1+s7], $0x6400, $0x38;
	[tilespmem:$0xBE00] =	vst v63  }
0x14: {  	_ =	swait.ge [sflag:s12], $0x6400  }
0x15: {  	[sflag:s12] =	ssyncset.done $0x0  }
0x16: {  	[sflag:s12] =	ssyncadd.s32 $0xFFFF9C00  }
0x17: {  	[tilespmem:s14], [sflag:$0x2] =	stream.linear.gather [hbm4b:s2+s7], $0x80, $0x38;
	[tilespmem:$0xBE00] =	vst v63  }
0x18: {  	_ =	swait.ge [sflag:s12], $0x80  }
0x19: {  	[sflag:s12] =	ssyncset.done $0x0  }
0x1a: {  	[sflag:s12] =	ssyncadd.s32 $0xFFFFFF80  }
0x1b: {  	[tilespmem:s15], [sflag:$0x2] =	stream.linear.gather [hbm4b:s4+s7], $0x80, $0x38;
	[tilespmem:$0xBE00] =	vst v63  }
0x1c: {  	_ =	swait.ge [sflag:s12], $0x80  }
0x1d: {  	[sflag:s12] =	ssyncset.done $0x0  }
0x1e: {  	s20 =	smov.u32 s11;
	s21 =	simm.s32 $0x0;
	[sflag:s12] =	ssyncadd.s32 $0xFFFFFF80  }
.LBB2_2:
0x1f: {  	s22 =	smulhi.u32 $0x51EB851F, s20;
	_ =	sdelay $0x1  }
0x20: {  	s24 =	sshll.u32 s21, $0x7;
	s22 =	sshrl.u32 s22, $0x6  }
0x21: {  	s23 =	sand.u32 $0x3FFFFF80, s24;
	s22 =	smul.u32 $0xC8, s22  }
0x22: {  	[tilespmem:s17], [sflag:$0x1] =	stream.indirect.gather [hbm4b:s0+s16], $0x80, s23, s16, $0xb8;
	[tilespmem:$0xBE00] =	vst v63  }
0x23: {  	s22 =	ssub.s32 s20, s22  }
0x24: {  	s25 =	sadd.s32 $0x0, s22  }
0x25: {  	s26 =	simm.s32 $0x0;
	_ =	swait.ge [sflag:s18], $0x4000;
	p0 =	slt.u32 s25, $0xC8  }
0x26: {  	[sflag:s18] =	ssyncset.done $0x0;
	s26 =	simm.s32 @!p0 $0x7FFF38  }
0x27: {  	s23 =	simm.s32 $0x7E40;
	[sflag:s18] =	ssyncadd.s32 $0xFFFFC000;
	s25 =	sadd.s32 s26, s25  }
0x28: {  	v4 =	vld [tilespmem:s23+$0xFFFFFFC0];
	s25 =	sshll.u32 s25, $0x9  }
0x29: {  	v5 =	vld [tilespmem:s23+$0xFFFFFFD0];
	s25 =	sshra.s32 s25, $0x2  }
0x2a: {  	v6 =	vld [tilespmem:s25+$0x1900]  }
0x2b: {  	v7 =	vld [tilespmem:s25+$0x1910]  }
0x2c: {  	v8 =	vld [tilespmem:s23+$0xFFFFFFE0]  }
0x2d: {  	v10 =	vld [tilespmem:s23+$0xFFFFFFF0]  }
0x2e: {  	v9 =	vld [tilespmem:s25+$0x1920]  }
0x2f: {  	v12 =	vld [tilespmem:s25+$0x1940];
	v4 =	vadd.f32 v6, v4  }
0x30: {  	v6 =	vld [tilespmem:s25+$0x1930];
	v5 =	vadd.f32 v7, v5  }
0x31: {  	v7 =	vld [tilespmem:s23+$0x0];
	v11 =	vadd.f32 $0.0e+00, v4  }
0x32: {  	v45 =	vld [tilespmem:s23+$0x10];
	v13 =	vmul.f32 v4, v4;
	v14 =	vmul.f32 v5, v5  }
0x33: {  	v15 =	vld [tilespmem:s25+$0x1950];
	v8 =	vadd.f32 v9, v8;
	v11 =	vadd.f32 v5, v11  }
0x34: {  	v16 =	vld [tilespmem:s23+$0x20];
	v13 =	vadd.f32 v14, v13  }
0x35: {  	v47 =	vld [tilespmem:s25+$0x1960];
	v46 =	vmul.f32 v8, v8;
	v6 =	vadd.f32 v6, v10;
	v11 =	vadd.f32 v8, v11  }
0x36: {  	v17 =	vld [tilespmem:s23+$0x30];
	v7 =	vadd.f32 v12, v7  }
0x37: {  	v48 =	vld [tilespmem:s25+$0x1970];
	v13 =	vadd.f32 v46, v13;
	v49 =	vmul.f32 v6, v6;
	v11 =	vadd.f32 v6, v11  }
0x38: {  	v9 =	vadd.f32 v15, v45  }
0x39: {  	v50 =	vmul.f32 v7, v7;
	v12 =	vadd.f32 v49, v13;
	v11 =	vadd.f32 v7, v11  }
0x3a: {  	v10 =	vadd.f32 v47, v16  }
0x3b: {  	v51 =	vmul.f32 v9, v9;
	v12 =	vadd.f32 v50, v12;
	v11 =	vadd.f32 v9, v11  }
0x3c: {  	v14 =	vadd.f32 v48, v17  }
0x3d: {  	v52 =	vmul.f32 v10, v10;
	v12 =	vadd.f32 v51, v12;
	v11 =	vadd.f32 v10, v11;
	_ =	sdelay $0x1  }
0x3e: {  	v53 =	vmul.f32 v14, v14;
	v12 =	vadd.f32 v52, v12;
	v11 =	vadd.f32 v14, v11;
	_ =	sdelay $0x1  }
0x3f: {  	v12 =	vadd.f32 v53, v12;
	v54 =	vperm.xlane v11, v0;
	_ =	sdelay $0x1  }
0x40: {  	v55 =	vperm.xlane v12, v0;
	v11 =	vadd.f32 v11, v54;
	_ =	sdelay $0x1  }
0x41: {  	v12 =	vadd.f32 v55, v12;
	v56 =	vperm.xlane v11, v1;
	_ =	sdelay $0x1  }
0x42: {  	v13 =	vperm.xlane v12, v1;
	v11 =	vadd.f32 v11, v56;
	_ =	sdelay $0x1  }
0x43: {  	v12 =	vadd.f32 v13, v12;
	v15 =	vperm.xlane v11, v2;
	_ =	sdelay $0x1  }
0x44: {  	v13 =	vperm.xlane v12, v2;
	v11 =	vadd.f32 v11, v15;
	_ =	sdelay $0x1  }
0x45: {  	v12 =	vadd.f32 v13, v12;
	v15 =	vperm.xlane v11, v3;
	_ =	sdelay $0x1  }
0x46: {  	v13 =	vperm.xlane v12, v3;
	v11 =	vadd.f32 v11, v15;
	_ =	sdelay $0x1  }
0x47: {  	v12 =	vadd.f32 v13, v12;
	v11 =	vmul.f32 $7.812500000e-03, v11;
	_ =	sdelay $0x1  }
0x48: {  	v12 =	vmul.f32 $7.812500000e-03, v12;
	v57 =	vmul.f32 v11, v11;
	_ =	sdelay $0x1  }
0x49: {  	v12 =	vsub.f32 v12, v57;
	_ =	sdelay $0x1  }
0x4a: {  	v12 =	vadd.f32 $9.999999960e-13, v12;
	_ =	sdelay $0x1  }
0x4b: {  	v58 =	vshra.s32 v12, $0x1;
	v12 =	vmul.f32 $5.000000000e-01, v12  }
0x4c: {  	v13 =	vsub.s32 $0x5F3759DF, v58  }
0x4d: {  	v59 =	vmul.f32 v13, v12;
	_ =	sdelay $0x1  }
0x4e: {  	v15 =	vmul.f32 v13, v59;
	_ =	sdelay $0x1  }
0x4f: {  	v15 =	vsub.f32 $1.500000000e+00, v15;
	_ =	sdelay $0x1  }
0x50: {  	v13 =	vmul.f32 v13, v15;
	_ =	sdelay $0x1  }
0x51: {  	v15 =	vmul.f32 v13, v12;
	_ =	sdelay $0x1  }
0x52: {  	v15 =	vmul.f32 v15, v13;
	_ =	sdelay $0x1  }
0x53: {  	v15 =	vsub.f32 $1.500000000e+00, v15;
	_ =	sdelay $0x1  }
0x54: {  	v13 =	vmul.f32 v15, v13;
	_ =	sdelay $0x1  }
0x55: {  	v12 =	vmul.f32 v13, v12;
	_ =	sdelay $0x1  }
0x56: {  	v12 =	vmul.f32 v12, v13;
	_ =	sdelay $0x1  }
0x57: {  	v12 =	vsub.f32 $1.500000000e+00, v12  }
0x58: {  	v60 =	vld [tilespmem:$0x7D00]  }
0x59: {  	v4 =	vsub.f32 v4, v11;
	v12 =	vmul.f32 v12, v13  }
0x5a: {  	v61 =	vld [tilespmem:$0x7D80]  }
0x5b: {  	v4 =	vmul.f32 v12, v4;
	_ =	sdelay $0x1  }
0x5c: {  	v4 =	vmul.f32 v4, v60;
	_ =	sdelay $0x1  }
0x5d: {  	v4 =	vadd.f32 v4, v61;
	_ =	sdelay $0x1  }
0x5e: {  	[tilespmem:s23+$0xFFFFFFC0] =	vst v4  }
0x5f: {  	v4 =	vld [tilespmem:$0x7D10]  }
0x60: {  	v5 =	vsub.f32 v5, v11  }
0x61: {  	v62 =	vld [tilespmem:$0x7D90]  }
0x62: {  	v5 =	vmul.f32 v12, v5;
	_ =	sdelay $0x1  }
0x63: {  	v4 =	vmul.f32 v5, v4;
	_ =	sdelay $0x1  }
0x64: {  	v4 =	vadd.f32 v4, v62;
	_ =	sdelay $0x1  }
0x65: {  	[tilespmem:s23+$0xFFFFFFD0] =	vst v4  }
0x66: {  	v4 =	vld [tilespmem:$0x7D20]  }
0x67: {  	v5 =	vsub.f32 v8, v11  }
0x68: {  	v63 =	vld [tilespmem:$0x7DA0]  }
0x69: {  	v5 =	vmul.f32 v12, v5;
	_ =	sdelay $0x1  }
0x6a: {  	v4 =	vmul.f32 v5, v4;
	_ =	sdelay $0x1  }
0x6b: {  	v4 =	vadd.f32 v4, v63;
	_ =	sdelay $0x1  }
0x6c: {  	[tilespmem:s23+$0xFFFFFFE0] =	vst v4  }
0x6d: {  	v4 =	vld [tilespmem:$0x7D30]  }
0x6e: {  	v5 =	vsub.f32 v6, v11  }
0x6f: {  	v6 =	vld [tilespmem:$0x7DB0]  }
0x70: {  	v5 =	vmul.f32 v12, v5;
	_ =	sdelay $0x1  }
0x71: {  	v4 =	vmul.f32 v5, v4;
	_ =	sdelay $0x1  }
0x72: {  	v4 =	vadd.f32 v4, v6;
	_ =	sdelay $0x1  }
0x73: {  	[tilespmem:s23+$0xFFFFFFF0] =	vst v4  }
0x74: {  	v4 =	vld [tilespmem:$0x7D40]  }
0x75: {  	v5 =	vsub.f32 v7, v11  }
0x76: {  	v6 =	vld [tilespmem:$0x7DC0]  }
0x77: {  	v5 =	vmul.f32 v12, v5;
	_ =	sdelay $0x1  }
0x78: {  	v4 =	vmul.f32 v5, v4;
	_ =	sdelay $0x1  }
0x79: {  	v4 =	vadd.f32 v4, v6;
	_ =	sdelay $0x1  }
0x7a: {  	[tilespmem:s23+$0x0] =	vst v4  }
0x7b: {  	v4 =	vld [tilespmem:$0x7D50]  }
0x7c: {  	v5 =	vsub.f32 v9, v11  }
0x7d: {  	v6 =	vld [tilespmem:$0x7DD0]  }
0x7e: {  	v5 =	vmul.f32 v12, v5;
	_ =	sdelay $0x1  }
0x7f: {  	v4 =	vmul.f32 v5, v4;
	_ =	sdelay $0x1  }
0x80: {  	v4 =	vadd.f32 v4, v6;
	_ =	sdelay $0x1  }
0x81: {  	[tilespmem:s23+$0x10] =	vst v4  }
0x82: {  	v4 =	vld [tilespmem:$0x7D60]  }
0x83: {  	v5 =	vsub.f32 v10, v11  }
0x84: {  	v6 =	vld [tilespmem:$0x7DE0]  }
0x85: {  	v5 =	vmul.f32 v12, v5;
	_ =	sdelay $0x1  }
0x86: {  	v4 =	vmul.f32 v5, v4;
	_ =	sdelay $0x1  }
0x87: {  	v4 =	vadd.f32 v4, v6;
	_ =	sdelay $0x1  }
0x88: {  	[tilespmem:s23+$0x20] =	vst v4  }
0x89: {  	v4 =	vld [tilespmem:$0x7D70]  }
0x8a: {  	v5 =	vsub.f32 v14, v11  }
0x8b: {  	v6 =	vld [tilespmem:$0x7DF0]  }
0x8c: {  	s31 =	sadd.s32 $0x1, s22;
	v5 =	vmul.f32 v12, v5  }
0x8d: {  	p0 =	slt.u32 s31, $0xC8;
	s26 =	simm.s32 $0x0  }
0x8e: {  	s26 =	simm.s32 @!p0 $0x7FFF38;
	v4 =	vmul.f32 v4, v5  }
0x8f: {  	s24 =	sadd.s32 s8, s24;
	s25 =	sadd.s32 s26, s31  }
0x90: {  	s26 =	simm.s32 $0x2;
	s28 =	sshll.u32 s25, $0x9;
	s25 =	simm.s32 $0x7EC0;
	v4 =	vadd.f32 v6, v4  }
.LBB2_3:
0x91: {  	p0 =	sne.s32 s26, $0x7F  }
0x92: {  	v5 =	vld [tilespmem:s25+$0xFFFFFFC0];
	s29 =	sshra.s32 s28, $0x2;
	s28 =	smov.u32 s26;
	s26 =	sadd.s32 $0x1, s26  }
0x93: {  	v6 =	vld [tilespmem:s25+$0xFFFFFFD0];
	[tilespmem:s23+$0x30] =	vst v4;
	s23 =	smov.u32 s25  }
0x94: {  	v4 =	vld [tilespmem:s29+$0x1900]  }
0x95: {  	v7 =	vld [tilespmem:s29+$0x1910]  }
0x96: {  	v8 =	vld [tilespmem:s25+$0xFFFFFFE0]  }
0x97: {  	v9 =	vld [tilespmem:s29+$0x1920]  }
0x98: {  	v10 =	vld [tilespmem:s25+$0xFFFFFFF0]  }
0x99: {  	v4 =	vadd.f32 v4, v5;
	v5 =	vld [tilespmem:s29+$0x1930]  }
0x9a: {  	v6 =	vadd.f32 v7, v6;
	v7 =	vld [tilespmem:s25+$0x0]  }
0x9b: {  	v11 =	vadd.f32 $0.0e+00, v4;
	v12 =	vld [tilespmem:s29+$0x1940]  }
0x9c: {  	v13 =	vmul.f32 v4, v4;
	v14 =	vmul.f32 v6, v6;
	v8 =	vadd.f32 v9, v8;
	v9 =	vld [tilespmem:s25+$0x10]  }
0x9d: {  	v11 =	vadd.f32 v6, v11;
	v15 =	vld [tilespmem:s29+$0x1950]  }
0x9e: {  	v13 =	vadd.f32 v14, v13;
	v14 =	vmul.f32 v8, v8;
	v16 =	vld [tilespmem:s25+$0x20]  }
0x9f: {  	v5 =	vadd.f32 v5, v10;
	v11 =	vadd.f32 v8, v11;
	v10 =	vld [tilespmem:s29+$0x1960]  }
0xa0: {  	v13 =	vadd.f32 v14, v13;
	v7 =	vadd.f32 v12, v7;
	v12 =	vld [tilespmem:s29+$0x1970]  }
0xa1: {  	v14 =	vmul.f32 v5, v5;
	v11 =	vadd.f32 v5, v11;
	v17 =	vld [tilespmem:s25+$0x30]  }
0xa2: {  	v18 =	vmul.f32 v7, v7;
	v9 =	vadd.f32 v15, v9  }
0xa3: {  	v13 =	vadd.f32 v14, v13;
	v11 =	vadd.f32 v7, v11  }
0xa4: {  	v14 =	vmul.f32 v9, v9;
	v10 =	vadd.f32 v10, v16  }
0xa5: {  	v13 =	vadd.f32 v18, v13;
	v11 =	vadd.f32 v9, v11  }
0xa6: {  	v15 =	vmul.f32 v10, v10;
	v12 =	vadd.f32 v12, v17  }
0xa7: {  	v13 =	vadd.f32 v14, v13;
	v11 =	vadd.f32 v10, v11  }
0xa8: {  	v14 =	vmul.f32 v12, v12  }
0xa9: {  	v13 =	vadd.f32 v15, v13;
	v11 =	vadd.f32 v12, v11;
	_ =	sdelay $0x1  }
0xaa: {  	v13 =	vadd.f32 v14, v13;
	v14 =	vperm.xlane v11, v0;
	_ =	sdelay $0x1  }
0xab: {  	v11 =	vadd.f32 v11, v14;
	v14 =	vperm.xlane v13, v0;
	_ =	sdelay $0x1  }
0xac: {  	v15 =	vperm.xlane v11, v1;
	v13 =	vadd.f32 v14, v13;
	_ =	sdelay $0x1  }
0xad: {  	v11 =	vadd.f32 v11, v15;
	v14 =	vperm.xlane v13, v1;
	_ =	sdelay $0x1  }
0xae: {  	v15 =	vperm.xlane v11, v2;
	v13 =	vadd.f32 v14, v13;
	_ =	sdelay $0x1  }
0xaf: {  	v11 =	vadd.f32 v11, v15;
	v14 =	vperm.xlane v13, v2;
	_ =	sdelay $0x1  }
0xb0: {  	v15 =	vperm.xlane v11, v3;
	v13 =	vadd.f32 v14, v13;
	_ =	sdelay $0x1  }
0xb1: {  	v11 =	vadd.f32 v11, v15;
	v14 =	vperm.xlane v13, v3;
	_ =	sdelay $0x1  }
0xb2: {  	v11 =	vmul.f32 $7.812500000e-03, v11;
	v13 =	vadd.f32 v14, v13;
	_ =	sdelay $0x1  }
0xb3: {  	v13 =	vmul.f32 $7.812500000e-03, v13;
	v14 =	vmul.f32 v11, v11;
	v15 =	vsub.f32 v4, v11  }
0xb4: {  	v16 =	vsub.f32 v6, v11;
	v8 =	vsub.f32 v8, v11  }
0xb5: {  	v4 =	vsub.f32 v13, v14;
	v13 =	vsub.f32 v5, v11  }
0xb6: {  	v7 =	vsub.f32 v7, v11;
	v6 =	vsub.f32 v9, v11  }
0xb7: {  	v5 =	vsub.f32 v10, v11;
	v9 =	vadd.f32 $9.999999960e-13, v4  }
0xb8: {  	v4 =	vsub.f32 v12, v11  }
0xb9: {  	v10 =	vshra.s32 v9, $0x1;
	v9 =	vmul.f32 $5.000000000e-01, v9  }
0xba: {  	v10 =	vsub.s32 $0x5F3759DF, v10  }
0xbb: {  	v11 =	vmul.f32 v10, v9;
	_ =	sdelay $0x1  }
0xbc: {  	v11 =	vmul.f32 v10, v11;
	_ =	sdelay $0x1  }
0xbd: {  	v11 =	vsub.f32 $1.500000000e+00, v11;
	_ =	sdelay $0x1  }
0xbe: {  	v10 =	vmul.f32 v10, v11;
	_ =	sdelay $0x1  }
0xbf: {  	v11 =	vmul.f32 v10, v9;
	_ =	sdelay $0x1  }
0xc0: {  	v11 =	vmul.f32 v11, v10;
	_ =	sdelay $0x1  }
0xc1: {  	v11 =	vsub.f32 $1.500000000e+00, v11;
	_ =	sdelay $0x1  }
0xc2: {  	v10 =	vmul.f32 v11, v10;
	_ =	sdelay $0x1  }
0xc3: {  	v9 =	vmul.f32 v10, v9;
	_ =	sdelay $0x1  }
0xc4: {  	v9 =	vmul.f32 v9, v10;
	_ =	sdelay $0x1  }
0xc5: {  	v9 =	vsub.f32 $1.500000000e+00, v9;
	v11 =	vld [tilespmem:$0x7D00];
	_ =	sdelay $0x1  }
0xc6: {  	v9 =	vmul.f32 v9, v10;
	v10 =	vld [tilespmem:$0x7D80];
	_ =	sdelay $0x1  }
0xc7: {  	v12 =	vmul.f32 v9, v15;
	_ =	sdelay $0x1  }
0xc8: {  	v11 =	vmul.f32 v12, v11;
	_ =	sdelay $0x1  }
0xc9: {  	v10 =	vadd.f32 v11, v10;
	_ =	sdelay $0x1  }
0xca: {  	[tilespmem:s25+$0xFFFFFFC0] =	vst v10  }
0xcb: {  	v10 =	vld [tilespmem:$0x7D10]  }
0xcc: {  	v11 =	vld [tilespmem:$0x7D90]  }
0xcd: {  	v12 =	vmul.f32 v9, v16;
	_ =	sdelay $0x2  }
0xce: {  	v10 =	vmul.f32 v12, v10;
	_ =	sdelay $0x1  }
0xcf: {  	v10 =	vadd.f32 v10, v11;
	_ =	sdelay $0x1  }
0xd0: {  	[tilespmem:s25+$0xFFFFFFD0] =	vst v10  }
0xd1: {  	v10 =	vld [tilespmem:$0x7D20]  }
0xd2: {  	v11 =	vld [tilespmem:$0x7DA0]  }
0xd3: {  	v8 =	vmul.f32 v9, v8;
	_ =	sdelay $0x2  }
0xd4: {  	v8 =	vmul.f32 v8, v10;
	_ =	sdelay $0x1  }
0xd5: {  	v8 =	vadd.f32 v8, v11;
	_ =	sdelay $0x1  }
0xd6: {  	[tilespmem:s25+$0xFFFFFFE0] =	vst v8  }
0xd7: {  	v8 =	vld [tilespmem:$0x7D30]  }
0xd8: {  	v10 =	vld [tilespmem:$0x7DB0]  }
0xd9: {  	v11 =	vmul.f32 v9, v13;
	_ =	sdelay $0x2  }
0xda: {  	v8 =	vmul.f32 v11, v8;
	_ =	sdelay $0x1  }
0xdb: {  	v8 =	vadd.f32 v8, v10;
	_ =	sdelay $0x1  }
0xdc: {  	[tilespmem:s25+$0xFFFFFFF0] =	vst v8  }
0xdd: {  	v8 =	vld [tilespmem:$0x7D40]  }
0xde: {  	v10 =	vld [tilespmem:$0x7DC0]  }
0xdf: {  	v7 =	vmul.f32 v9, v7;
	_ =	sdelay $0x2  }
0xe0: {  	v7 =	vmul.f32 v7, v8;
	_ =	sdelay $0x1  }
0xe1: {  	v7 =	vadd.f32 v7, v10;
	_ =	sdelay $0x1  }
0xe2: {  	[tilespmem:s25+$0x0] =	vst v7  }
0xe3: {  	v7 =	vld [tilespmem:$0x7D50]  }
0xe4: {  	v8 =	vld [tilespmem:$0x7DD0]  }
0xe5: {  	v6 =	vmul.f32 v9, v6;
	_ =	sdelay $0x2  }
0xe6: {  	v6 =	vmul.f32 v6, v7;
	_ =	sdelay $0x1  }
0xe7: {  	v6 =	vadd.f32 v6, v8;
	_ =	sdelay $0x1  }
0xe8: {  	[tilespmem:s25+$0x10] =	vst v6  }
0xe9: {  	v6 =	vld [tilespmem:$0x7D60]  }
0xea: {  	v7 =	vld [tilespmem:$0x7DE0]  }
0xeb: {  	v5 =	vmul.f32 v9, v5;
	_ =	sdelay $0x2  }
0xec: {  	v5 =	vmul.f32 v5, v6;
	_ =	sdelay $0x1  }
0xed: {  	v5 =	vadd.f32 v5, v7;
	_ =	sdelay $0x1  }
0xee: {  	[tilespmem:s25+$0x20] =	vst v5  }
0xef: {  	v5 =	vld [tilespmem:$0x7D70]  }
0xf0: {  	v6 =	vld [tilespmem:$0x7DF0]  }
0xf1: {  	v4 =	vmul.f32 v9, v4  }
.Ltmp0:
0xf2: {  	s28 =	sadd.s32 s28, s22;
	(pc) =	sbr.rel @p0 .LBB2_3-.Ltmp0, $4  }
0xf3: {  	p1 =	slt.u32 s28, $0xC8;
	s29 =	simm.s32 $0x0  }
0xf4: {  	s29 =	simm.s32 @!p1 $0x7FFF38;
	v4 =	vmul.f32 v5, v4  }
0xf5: {  	s28 =	sadd.s32 s29, s28  }
0xf6: {  	s28 =	sshll.u32 s28, $0x9;
	s25 =	sadd.s32 $0x80, s25;
	v4 =	vadd.f32 v6, v4  }
0xf7: {  	v5 =	vld [tilespmem:s25+$0xFFFFFFC0]  }
0xf8: {  	s22 =	sshra.s32 s28, $0x2;
	v6 =	vld [tilespmem:s25+$0xFFFFFFD0];
	[tilespmem:s23+$0x30] =	vst v4  }
0xf9: {  	v4 =	vld [tilespmem:s22+$0x1900]  }
0xfa: {  	v7 =	vld [tilespmem:s22+$0x1910]  }
0xfb: {  	v8 =	vld [tilespmem:s25+$0xFFFFFFE0]  }
0xfc: {  	v10 =	vld [tilespmem:s25+$0xFFFFFFF0]  }
0xfd: {  	v9 =	vld [tilespmem:s22+$0x1920]  }
0xfe: {  	v38 =	vld [tilespmem:s25+$0x0];
	v4 =	vadd.f32 v4, v5  }
0xff: {  	v5 =	vld [tilespmem:s22+$0x1930];
	v6 =	vadd.f32 v7, v6  }
0x100: {  	v12 =	vld [tilespmem:s22+$0x1940];
	v11 =	vadd.f32 $0.0e+00, v4  }
0x101: {  	v39 =	vld [tilespmem:s25+$0x10];
	v13 =	vmul.f32 v4, v4;
	v14 =	vmul.f32 v6, v6  }
0x102: {  	v15 =	vld [tilespmem:s22+$0x1950];
	v8 =	vadd.f32 v9, v8;
	v11 =	vadd.f32 v6, v11  }
0x103: {  	v16 =	vld [tilespmem:s25+$0x20];
	v13 =	vadd.f32 v14, v13  }
0x104: {  	v41 =	vld [tilespmem:s22+$0x1960];
	v40 =	vmul.f32 v8, v8;
	v5 =	vadd.f32 v5, v10;
	v11 =	vadd.f32 v8, v11  }
0x105: {  	v42 =	vld [tilespmem:s22+$0x1970];
	v7 =	vadd.f32 v12, v38  }
0x106: {  	v17 =	vld [tilespmem:s25+$0x30];
	v13 =	vadd.f32 v40, v13;
	v43 =	vmul.f32 v5, v5;
	v11 =	vadd.f32 v5, v11  }
0x107: {  	v9 =	vadd.f32 v15, v39  }
0x108: {  	v44 =	vmul.f32 v7, v7;
	v12 =	vadd.f32 v43, v13;
	v11 =	vadd.f32 v7, v11  }
0x109: {  	v10 =	vadd.f32 v41, v16  }
0x10a: {  	v45 =	vmul.f32 v9, v9;
	v12 =	vadd.f32 v44, v12;
	v11 =	vadd.f32 v9, v11  }
0x10b: {  	v14 =	vadd.f32 v42, v17  }
0x10c: {  	v46 =	vmul.f32 v10, v10;
	v12 =	vadd.f32 v45, v12;
	v11 =	vadd.f32 v10, v11;
	_ =	sdelay $0x1  }
0x10d: {  	v47 =	vmul.f32 v14, v14;
	v12 =	vadd.f32 v46, v12;
	v11 =	vadd.f32 v14, v11;
	_ =	sdelay $0x1  }
0x10e: {  	v12 =	vadd.f32 v47, v12;
	v48 =	vperm.xlane v11, v0;
	_ =	sdelay $0x1  }
0x10f: {  	v49 =	vperm.xlane v12, v0;
	v11 =	vadd.f32 v11, v48;
	_ =	sdelay $0x1  }
0x110: {  	v12 =	vadd.f32 v49, v12;
	v50 =	vperm.xlane v11, v1;
	_ =	sdelay $0x1  }
0x111: {  	v13 =	vperm.xlane v12, v1;
	v11 =	vadd.f32 v11, v50;
	_ =	sdelay $0x1  }
0x112: {  	v12 =	vadd.f32 v13, v12;
	v15 =	vperm.xlane v11, v2;
	_ =	sdelay $0x1  }
0x113: {  	v13 =	vperm.xlane v12, v2;
	v11 =	vadd.f32 v11, v15;
	_ =	sdelay $0x1  }
0x114: {  	v12 =	vadd.f32 v13, v12;
	v15 =	vperm.xlane v11, v3;
	_ =	sdelay $0x1  }
0x115: {  	v13 =	vperm.xlane v12, v3;
	v11 =	vadd.f32 v11, v15;
	_ =	sdelay $0x1  }
0x116: {  	v12 =	vadd.f32 v13, v12;
	v11 =	vmul.f32 $7.812500000e-03, v11;
	_ =	sdelay $0x1  }
0x117: {  	v12 =	vmul.f32 $7.812500000e-03, v12;
	v51 =	vmul.f32 v11, v11;
	_ =	sdelay $0x1  }
0x118: {  	v12 =	vsub.f32 v12, v51;
	_ =	sdelay $0x1  }
0x119: {  	v12 =	vadd.f32 $9.999999960e-13, v12;
	_ =	sdelay $0x1  }
0x11a: {  	v52 =	vshra.s32 v12, $0x1;
	v12 =	vmul.f32 $5.000000000e-01, v12  }
0x11b: {  	v13 =	vsub.s32 $0x5F3759DF, v52  }
0x11c: {  	v53 =	vmul.f32 v13, v12;
	_ =	sdelay $0x1  }
0x11d: {  	v15 =	vmul.f32 v13, v53;
	_ =	sdelay $0x1  }
0x11e: {  	v15 =	vsub.f32 $1.500000000e+00, v15;
	_ =	sdelay $0x1  }
0x11f: {  	v13 =	vmul.f32 v13, v15;
	_ =	sdelay $0x1  }
0x120: {  	v15 =	vmul.f32 v13, v12;
	_ =	sdelay $0x1  }
0x121: {  	v15 =	vmul.f32 v15, v13;
	_ =	sdelay $0x1  }
0x122: {  	v15 =	vsub.f32 $1.500000000e+00, v15;
	_ =	sdelay $0x1  }
0x123: {  	v13 =	vmul.f32 v15, v13;
	_ =	sdelay $0x1  }
0x124: {  	v12 =	vmul.f32 v13, v12;
	_ =	sdelay $0x1  }
0x125: {  	v12 =	vmul.f32 v12, v13;
	_ =	sdelay $0x1  }
0x126: {  	v12 =	vsub.f32 $1.500000000e+00, v12  }
0x127: {  	v54 =	vld [tilespmem:$0x7D00]  }
0x128: {  	v4 =	vsub.f32 v4, v11;
	v12 =	vmul.f32 v12, v13  }
0x129: {  	v55 =	vld [tilespmem:$0x7D80]  }
0x12a: {  	v4 =	vmul.f32 v12, v4;
	_ =	sdelay $0x1  }
0x12b: {  	v4 =	vmul.f32 v4, v54;
	_ =	sdelay $0x1  }
0x12c: {  	v4 =	vadd.f32 v4, v55;
	_ =	sdelay $0x1  }
0x12d: {  	[tilespmem:s25+$0xFFFFFFC0] =	vst v4  }
0x12e: {  	v4 =	vld [tilespmem:$0x7D10]  }
0x12f: {  	v6 =	vsub.f32 v6, v11  }
0x130: {  	v56 =	vld [tilespmem:$0x7D90]  }
0x131: {  	v6 =	vmul.f32 v12, v6;
	_ =	sdelay $0x1  }
0x132: {  	v4 =	vmul.f32 v6, v4;
	_ =	sdelay $0x1  }
0x133: {  	v4 =	vadd.f32 v4, v56;
	_ =	sdelay $0x1  }
0x134: {  	[tilespmem:s25+$0xFFFFFFD0] =	vst v4  }
0x135: {  	v4 =	vld [tilespmem:$0x7D20]  }
0x136: {  	v57 =	vsub.f32 v8, v11  }
0x137: {  	v58 =	vld [tilespmem:$0x7DA0]  }
0x138: {  	v6 =	vmul.f32 v12, v57;
	_ =	sdelay $0x1  }
0x139: {  	v4 =	vmul.f32 v6, v4;
	_ =	sdelay $0x1  }
0x13a: {  	v4 =	vadd.f32 v4, v58;
	_ =	sdelay $0x1  }
0x13b: {  	[tilespmem:s25+$0xFFFFFFE0] =	vst v4  }
0x13c: {  	v4 =	vld [tilespmem:$0x7D30]  }
0x13d: {  	v5 =	vsub.f32 v5, v11  }
0x13e: {  	v59 =	vld [tilespmem:$0x7DB0]  }
0x13f: {  	v5 =	vmul.f32 v12, v5;
	_ =	sdelay $0x1  }
0x140: {  	v4 =	vmul.f32 v5, v4;
	_ =	sdelay $0x1  }
0x141: {  	v4 =	vadd.f32 v4, v59;
	_ =	sdelay $0x1  }
0x142: {  	[tilespmem:s25+$0xFFFFFFF0] =	vst v4  }
0x143: {  	v4 =	vld [tilespmem:$0x7D40]  }
0x144: {  	v5 =	vsub.f32 v7, v11  }
0x145: {  	v60 =	vld [tilespmem:$0x7DC0]  }
0x146: {  	v5 =	vmul.f32 v12, v5;
	_ =	sdelay $0x1  }
0x147: {  	v4 =	vmul.f32 v5, v4;
	_ =	sdelay $0x1  }
0x148: {  	v4 =	vadd.f32 v4, v60;
	_ =	sdelay $0x1  }
0x149: {  	[tilespmem:s25+$0x0] =	vst v4  }
0x14a: {  	v4 =	vld [tilespmem:$0x7D50]  }
0x14b: {  	v5 =	vsub.f32 v9, v11  }
0x14c: {  	v61 =	vld [tilespmem:$0x7DD0]  }
0x14d: {  	v5 =	vmul.f32 v12, v5;
	_ =	sdelay $0x1  }
0x14e: {  	v4 =	vmul.f32 v5, v4;
	_ =	sdelay $0x1  }
0x14f: {  	v4 =	vadd.f32 v4, v61;
	_ =	sdelay $0x1  }
0x150: {  	[tilespmem:s25+$0x10] =	vst v4  }
0x151: {  	v4 =	vld [tilespmem:$0x7D60]  }
0x152: {  	v5 =	vsub.f32 v10, v11  }
0x153: {  	v62 =	vld [tilespmem:$0x7DE0]  }
0x154: {  	v5 =	vmul.f32 v12, v5;
	_ =	sdelay $0x1  }
0x155: {  	v4 =	vmul.f32 v5, v4;
	_ =	sdelay $0x1  }
0x156: {  	v4 =	vadd.f32 v4, v62;
	_ =	sdelay $0x1  }
0x157: {  	[tilespmem:s25+$0x20] =	vst v4  }
0x158: {  	v4 =	vld [tilespmem:$0x7D70]  }
0x159: {  	v5 =	vsub.f32 v14, v11  }
0x15a: {  	v63 =	vld [tilespmem:$0x7DF0]  }
0x15b: {  	v5 =	vmul.f32 v12, v5;
	_ =	sdelay $0x1  }
0x15c: {  	v4 =	vmul.f32 v4, v5;
	_ =	sdelay $0x1  }
0x15d: {  	s21 =	sadd.s32 $0x1, s21;
	v4 =	vadd.f32 v63, v4  }
0x15e: {  	s31 =	sshll.u32 s24, $0x4;
	p0 =	sne.s32 s21, $0x32  }
.Ltmp1:
0x15f: {  	s22 =	sadd.s32 s6, s31;
	[tilespmem:s25+$0x30] =	vst v4;
	(pc) =	sbr.rel @p0 .LBB2_2-.Ltmp1, $4  }
0x160: {  	[hbm4b:s22+s7] =	stream.linear.scatter [tilespmem:s17], [sflag:$0x2], $0x4000, $0x38;
	[tilespmem:$0xBE00] =	vst v63  }
0x161: {  	_ =	swait.ge [sflag:s12], $0x4000  }
0x162: {  	[sflag:s12] =	ssyncset.done $0x0  }
0x163: {  	s20 =	sadd.s32 $0x80, s20;
	[sflag:s12] =	ssyncadd.s32 $0xFFFFC000  }
0x164: {  	s19 =	sadd.s32 $0x1, s19  }
0x165: {  	p0 =	sne.s32 s19, s10  }
.Ltmp2:
0x166: {  	_ = 	snop;
	(pc) =	sbr.rel @p0 .LBB2_1-.Ltmp2, $1  }
0x167: {  	_ =	sdelay $0x3  }
0x168: {  	_ =	sfence.sel $0x180000  }
0x169: {  	[bflag:$0x0] =	sbarrier.arrive $0xFFFF  }
0x16a: {  	p0 =	sne.s32 s3, $0x0;
	_ =	strace $0x90000047  }
0x16b: {  	s0 =	sadd.s32 @!p0 $0x100000, s5;
	[bflag:$0x2] =	sbarrier.arrive $0xFFFF  }
0x16c: {  	[sflag:s0] =	ssyncadd.tile.s32 @!p0 $0x1;
	_ =	shalt  }
.Lfunc_end2:
_tile_overlayer_lowered:
.L_overlay_start_2:
0x16d: {  	(tag) =	ssettag $0x2  }
0x16e: {  	s0 =	rddreg [dreg:$0x0];
	s2 =	stileid.u32  }
0x16f: {  	s1 =	rddreg [dreg:$0x1];
	p0 =	sne.s32 s2, $0x0  }
0x170: {  	s3 =	rddreg [dreg:$0x2];
	[bflag:$0x3] =	sbarrier.arrive $0xFFFF;
	s2 =	simm.s32 @!p0 $0x1C02  }
0x171: {  	[timem:s3], [sflag:s2] =	dma.local @!p0 [hbm:s0], s1  }
0x172: {  	s0 =	simm.s32 @!p0 $0x2  }
0x173: {  	_ =	swait.ge @!p0 [sflag:s0], s1  }
0x174: {  	s1 =	ssub.s32 @!p0 $0x0, s1;
	[sflag:s0] =	ssyncset.done @!p0 $0x0  }
0x175: {  	[sflag:s0] =	ssyncadd.s32 @!p0 s1  }
0x176: {  	[bflag:$0x3] =	sbarrier.arrive $0xFFFF  }
0x177: {  	_ =	shalt  }

</sc_bundles>
